<compile_context>
chip_gen: v7x
topology: tpu7x:2x2x1
jax: 0.10.2.dev20260603
libtpu: 0.0.44.dev20260713+nightly
codegen_flags: <defaults>
</compile_context>

<pallas_src>
import functools

import jax
import jax.numpy as jnp
from jax import lax
from jax.experimental import pallas as pl
from jax.experimental.pallas import tpu as pltpu
from jax.experimental.pallas import tpu_sc as plsc

_K = 7
_A = 5


def _gather_kernel(n_workers, seq, bpw, d):
  mesh = plsc.VectorSubcoreMesh(core_axis_name="c", subcore_axis_name="s")
  n_chunks = seq
  n_loop = (n_chunks - 2 * _K) // _K
  tail_start = _K + _K * n_loop
  assert tail_start + _A <= n_chunks

  @functools.partial(
      pl.kernel,
      mesh=mesh,
      out_type=jax.ShapeDtypeStruct(
          (seq, n_workers * bpw, d), jnp.float32),
      scratch_types=[
          pltpu.VMEM((n_chunks, bpw), jnp.int32),
          pltpu.VMEM((_K, bpw, d), jnp.float32),
      ] + [pltpu.SemaphoreType.DMA] * (2 * _K),
  )
  def k(idx_hbm, table_hbm, out_hbm, idx_v, rows_v, *sems):
    gsems = sems[:_K]
    ssems = sems[_K:]
    wid = lax.axis_index("s") * 2 + lax.axis_index("c")
    base = wid * bpw
    pltpu.sync_copy(idx_hbm.at[pl.ds(0, _A), wid], idx_v.at[pl.ds(0, _A)])

    def gather(j, b):
      return pltpu.make_async_copy(table_hbm.at[idx_v.at[j]], rows_v.at[b],
                                   gsems[b])

    def scatter(j, b):
      return pltpu.make_async_copy(
          rows_v.at[b], out_hbm.at[j, pl.ds(base, bpw)], ssems[b])

    def body(j, b, scatter_wait, gather_ahead):
      bb = (b + _A) % _K
      if scatter_wait:
        scatter(j - (_K - _A), bb).wait()
      if gather_ahead:
        gather(j + _A, bb).start()
      gather(j, b).wait()
      scatter(j, b).start()

    for j in range(_A):
      gather(j, j).start()
    pltpu.sync_copy(idx_hbm.at[pl.ds(_A, n_chunks - _A), wid],
                    idx_v.at[pl.ds(_A, n_chunks - _A)])
    for j in range(_K):
      body(j, j, scatter_wait=j >= _K - _A, gather_ahead=True)

    def loop_body(u, _):
      j0 = _K + _K * u
      for i in range(_K):
        body(j0 + i, i, scatter_wait=True, gather_ahead=True)
      return 0

    lax.fori_loop(0, n_loop, loop_body, 0)

    for j in range(tail_start, n_chunks):
      body(j, j % _K, scatter_wait=True, gather_ahead=j + _A < n_chunks)
    for j in range(n_chunks - (_K - _A), n_chunks):
      scatter(j, j % _K).wait()

  return k


def kernel(inputs, table):
  b, s = inputs.shape
  v, d = table.shape
  n_workers = 32
  bpw = b // n_workers
  idx = jnp.transpose(inputs.astype(jnp.int32)).reshape(s, n_workers, bpw)
  out = _gather_kernel(n_workers, s, bpw, d)(idx, table)
  return jnp.swapaxes(out, 0, 1)

# --- scband reference (transcript-rebuilt; emitter-appended) ---
"""Pipeline reference for scband-discrete-embedding-20444044329422 (READ-ONLY COPY).

The authoritative reference and input builder live on the scoring server;
editing this copy changes nothing except your own understanding.
"""

import jax, jax.numpy as jnp
import numpy as np

VOCAB = 100000
DIM = 128
BATCH = 4096
SEQ = 50

def setup_inputs(seed: int = 0) -> dict:
    key = jax.random.key(seed)
    k_idx, k_tab = jax.random.split(key)
    inputs = jax.random.randint(k_idx, (BATCH, SEQ), 0, VOCAB, dtype=jnp.int64 if jax.config.jax_enable_x64 else jnp.int32)
    table = jax.random.normal(k_tab, (VOCAB, DIM), dtype=jnp.float32) * 0.02
    return {"inputs": inputs, "table": table}

def reference(inputs, table):
    # nn.Embedding forward: gather rows of the table by integer index
    return jnp.take(table, inputs, axis=0)

if __name__ == "__main__":
    import jax
    _d = setup_inputs()
    print(jax.jit(kernel)(*tuple(_d.values())))

</pallas_src>

<mosaic_0001>
#map = affine_map<(d0, d1) -> (0, 0, 0)>
#map1 = affine_map<(d0, d1) -> (0, 0)>
module attributes {stable_mosaic.version = 14 : i64} {
  func.func @k(%arg0: i32, %arg1: i32, %arg2: memref<50x32x128xi32, #tpu.memory_space<hbm>>, %arg3: memref<100000x128xf32, #tpu.memory_space<hbm>>, %arg4: memref<50x4096x128xf32, #tpu.memory_space<hbm>>, %arg5: memref<50x128xi32, #tpu.memory_space<vmem>>, %arg6: memref<7x128x128xf32, #tpu.memory_space<vmem>>, %arg7: memref<!tpu.dma_semaphore, #tpu.memory_space<semaphore_mem>>, %arg8: memref<!tpu.dma_semaphore, #tpu.memory_space<semaphore_mem>>, %arg9: memref<!tpu.dma_semaphore, #tpu.memory_space<semaphore_mem>>, %arg10: memref<!tpu.dma_semaphore, #tpu.memory_space<semaphore_mem>>, %arg11: memref<!tpu.dma_semaphore, #tpu.memory_space<semaphore_mem>>, %arg12: memref<!tpu.dma_semaphore, #tpu.memory_space<semaphore_mem>>, %arg13: memref<!tpu.dma_semaphore, #tpu.memory_space<semaphore_mem>>, %arg14: memref<!tpu.dma_semaphore, #tpu.memory_space<semaphore_mem>>, %arg15: memref<!tpu.dma_semaphore, #tpu.memory_space<semaphore_mem>>, %arg16: memref<!tpu.dma_semaphore, #tpu.memory_space<semaphore_mem>>, %arg17: memref<!tpu.dma_semaphore, #tpu.memory_space<semaphore_mem>>, %arg18: memref<!tpu.dma_semaphore, #tpu.memory_space<semaphore_mem>>, %arg19: memref<!tpu.dma_semaphore, #tpu.memory_space<semaphore_mem>>, %arg20: memref<!tpu.dma_semaphore, #tpu.memory_space<semaphore_mem>>) attributes {dimension_semantics = [#tpu.dimension_semantics<core_parallel>, #tpu.dimension_semantics<subcore_parallel>], iteration_bounds = array<i64: 2, 16>, scalar_prefetch = 0 : i64, scratch_operands = 16 : i64, tpu.core_type = #tpu.core_type<sc_vector_subcore>, window_params = [{transform_indices = #map}, {transform_indices = #map1}, {transform_indices = #map}]} {
    %mul3A = arith.constant 2 : i32
    %mul3A_0 = arith.muli %arg1, %mul3A : i32
    %add3A = arith.addi %mul3A_0, %arg0 : i32
    %mul3A_1 = arith.constant 128 : i32
    %mul3A_2 = arith.muli %add3A, %mul3A_1 : i32
    "tpu.region"() ({
      %run_scoped3A = tpu.sem_alloc : memref<!tpu.dma_semaphore, #tpu.memory_space<semaphore_mem>>
      %dma_start3A_847 = arith.constant 0 : i32
      %dma_start3A_848 = arith.constant 0 : i32
      %dma_start3A_849 = tpu.memref_slice %arg5[%dma_start3A_847, %dma_start3A_848] : memref<50x128xi32, #tpu.memory_space<vmem>> -> memref<5x128xi32, #tpu.memory_space<vmem>>
      %dma_start3A_850 = arith.constant 0 : i32
      %dma_start3A_851 = arith.constant 0 : i32
      %dma_start3A_852 = tpu.memref_slice %arg2[%dma_start3A_850, %add3A, %dma_start3A_851] : memref<50x32x128xi32, #tpu.memory_space<hbm>> -> memref<5x1x128xi32, #tpu.memory_space<hbm>>
      %dma_start3A_853 = tpu.memref_squeeze %dma_start3A_852 : memref<5x1x128xi32, #tpu.memory_space<hbm>> -> memref<5x128xi32, #tpu.memory_space<hbm>>
      %dma_start3A_854 = arith.constant 0 : i32
      %dma_start3A_855 = arith.constant 0 : i32
      %dma_start3A_856 = tpu.memref_slice %arg5[%dma_start3A_854, %dma_start3A_855] : memref<50x128xi32, #tpu.memory_space<vmem>> -> memref<5x128xi32, #tpu.memory_space<vmem>>
      %dma_start3A_857 = arith.constant 0 : i32
      %dma_start3A_858 = arith.constant 0 : i32
      %dma_start3A_859 = tpu.memref_slice %arg2[%dma_start3A_857, %add3A, %dma_start3A_858] : memref<50x32x128xi32, #tpu.memory_space<hbm>> -> memref<5x1x128xi32, #tpu.memory_space<hbm>>
      %dma_start3A_860 = tpu.memref_squeeze %dma_start3A_859 : memref<5x1x128xi32, #tpu.memory_space<hbm>> -> memref<5x128xi32, #tpu.memory_space<hbm>>
      tpu.enqueue_dma source(%dma_start3A_860 : memref<5x128xi32, #tpu.memory_space<hbm>>) target(%dma_start3A_856 : memref<5x128xi32, #tpu.memory_space<vmem>>) target_semaphore(%run_scoped3A : memref<!tpu.dma_semaphore, #tpu.memory_space<semaphore_mem>>)
      %dma_wait3A_861 = arith.constant 0 : i32
      %dma_wait3A_862 = arith.constant 0 : i32
      %dma_wait3A_863 = tpu.memref_slice %arg5[%dma_wait3A_861, %dma_wait3A_862] : memref<50x128xi32, #tpu.memory_space<vmem>> -> memref<5x128xi32, #tpu.memory_space<vmem>>
      %dma_wait3A_864 = arith.constant 0 : i32
      %dma_wait3A_865 = arith.constant 0 : i32
      %dma_wait3A_866 = tpu.memref_slice %arg2[%dma_wait3A_864, %add3A, %dma_wait3A_865] : memref<50x32x128xi32, #tpu.memory_space<hbm>> -> memref<5x1x128xi32, #tpu.memory_space<hbm>>
      %dma_wait3A_867 = tpu.memref_squeeze %dma_wait3A_866 : memref<5x1x128xi32, #tpu.memory_space<hbm>> -> memref<5x128xi32, #tpu.memory_space<hbm>>
      %dma_wait3A_868 = arith.constant 0 : i32
      %dma_wait3A_869 = arith.constant 0 : i32
      %dma_wait3A_870 = tpu.memref_slice %arg5[%dma_wait3A_868, %dma_wait3A_869] : memref<50x128xi32, #tpu.memory_space<vmem>> -> memref<5x128xi32, #tpu.memory_space<vmem>>
      %dma_wait3A_871 = arith.constant 0 : i32
      %dma_wait3A_872 = arith.constant 0 : i32
      %dma_wait3A_873 = tpu.memref_slice %arg2[%dma_wait3A_871, %add3A, %dma_wait3A_872] : memref<50x32x128xi32, #tpu.memory_space<hbm>> -> memref<5x1x128xi32, #tpu.memory_space<hbm>>
      %dma_wait3A_874 = tpu.memref_squeeze %dma_wait3A_873 : memref<5x1x128xi32, #tpu.memory_space<hbm>> -> memref<5x128xi32, #tpu.memory_space<hbm>>
      tpu.wait_dma2 semaphore(%run_scoped3A : memref<!tpu.dma_semaphore, #tpu.memory_space<semaphore_mem>>) src(%dma_wait3A_874 : memref<5x128xi32, #tpu.memory_space<hbm>>) dst(%dma_wait3A_870 : memref<5x128xi32, #tpu.memory_space<vmem>>)
      tpu.yield
    }) : () -> ()
    %dma_start3A = arith.constant 0 : i32
    %dma_start3A_3 = arith.constant 0 : i32
    %dma_start3A_4 = arith.constant 0 : i32
    %dma_start3A_5 = arith.constant 0 : i32
    %dma_start3A_6 = tpu.memref_slice %arg6[%dma_start3A_3, %dma_start3A_4, %dma_start3A_5] : memref<7x128x128xf32, #tpu.memory_space<vmem>> -> memref<1x128x128xf32, #tpu.memory_space<vmem>>
    %dma_start3A_7 = tpu.memref_squeeze %dma_start3A_6 : memref<1x128x128xf32, #tpu.memory_space<vmem>> -> memref<128x128xf32, #tpu.memory_space<vmem>>
    %dma_start3A_8 = arith.constant 0 : i32
    %dma_start3A_9 = tpu.memref_slice %arg5[%dma_start3A, %dma_start3A_8] : memref<50x128xi32, #tpu.memory_space<vmem>> -> memref<1x128xi32, #tpu.memory_space<vmem>>
    %dma_start3A_10 = tpu.memref_squeeze %dma_start3A_9 : memref<1x128xi32, #tpu.memory_space<vmem>> -> memref<128xi32, #tpu.memory_space<vmem>>
    %dma_start3A_11 = arith.constant 0 : i32
    %dma_start3A_12 = arith.constant 0 : i32
    %dma_start3A_13 = tpu.memref_slice %arg3[%dma_start3A_11, %dma_start3A_12] : memref<100000x128xf32, #tpu.memory_space<hbm>> -> memref<100000x128xf32, #tpu.memory_space<hbm>>
    tpu.enqueue_indirect_dma source(%dma_start3A_13 : memref<100000x128xf32, #tpu.memory_space<hbm>>) target(%dma_start3A_7 : memref<128x128xf32, #tpu.memory_space<vmem>>) offsets(%dma_start3A_10 : memref<128xi32, #tpu.memory_space<vmem>>) semaphore(%arg7 : memref<!tpu.dma_semaphore, #tpu.memory_space<semaphore_mem>>)
    %dma_start3A_14 = arith.constant 1 : i32
    %dma_start3A_15 = arith.constant 1 : i32
    %dma_start3A_16 = arith.constant 0 : i32
    %dma_start3A_17 = arith.constant 0 : i32
    %dma_start3A_18 = tpu.memref_slice %arg6[%dma_start3A_15, %dma_start3A_16, %dma_start3A_17] : memref<7x128x128xf32, #tpu.memory_space<vmem>> -> memref<1x128x128xf32, #tpu.memory_space<vmem>>
    %dma_start3A_19 = tpu.memref_squeeze %dma_start3A_18 : memref<1x128x128xf32, #tpu.memory_space<vmem>> -> memref<128x128xf32, #tpu.memory_space<vmem>>
    %dma_start3A_20 = arith.constant 0 : i32
    %dma_start3A_21 = tpu.memref_slice %arg5[%dma_start3A_14, %dma_start3A_20] : memref<50x128xi32, #tpu.memory_space<vmem>> -> memref<1x128xi32, #tpu.memory_space<vmem>>
    %dma_start3A_22 = tpu.memref_squeeze %dma_start3A_21 : memref<1x128xi32, #tpu.memory_space<vmem>> -> memref<128xi32, #tpu.memory_space<vmem>>
    %dma_start3A_23 = arith.constant 0 : i32
    %dma_start3A_24 = arith.constant 0 : i32
    %dma_start3A_25 = tpu.memref_slice %arg3[%dma_start3A_23, %dma_start3A_24] : memref<100000x128xf32, #tpu.memory_space<hbm>> -> memref<100000x128xf32, #tpu.memory_space<hbm>>
    tpu.enqueue_indirect_dma source(%dma_start3A_25 : memref<100000x128xf32, #tpu.memory_space<hbm>>) target(%dma_start3A_19 : memref<128x128xf32, #tpu.memory_space<vmem>>) offsets(%dma_start3A_22 : memref<128xi32, #tpu.memory_space<vmem>>) semaphore(%arg8 : memref<!tpu.dma_semaphore, #tpu.memory_space<semaphore_mem>>)
    %dma_start3A_26 = arith.constant 2 : i32
    %dma_start3A_27 = arith.constant 2 : i32
    %dma_start3A_28 = arith.constant 0 : i32
    %dma_start3A_29 = arith.constant 0 : i32
    %dma_start3A_30 = tpu.memref_slice %arg6[%dma_start3A_27, %dma_start3A_28, %dma_start3A_29] : memref<7x128x128xf32, #tpu.memory_space<vmem>> -> memref<1x128x128xf32, #tpu.memory_space<vmem>>
    %dma_start3A_31 = tpu.memref_squeeze %dma_start3A_30 : memref<1x128x128xf32, #tpu.memory_space<vmem>> -> memref<128x128xf32, #tpu.memory_space<vmem>>
    %dma_start3A_32 = arith.constant 0 : i32
    %dma_start3A_33 = tpu.memref_slice %arg5[%dma_start3A_26, %dma_start3A_32] : memref<50x128xi32, #tpu.memory_space<vmem>> -> memref<1x128xi32, #tpu.memory_space<vmem>>
    %dma_start3A_34 = tpu.memref_squeeze %dma_start3A_33 : memref<1x128xi32, #tpu.memory_space<vmem>> -> memref<128xi32, #tpu.memory_space<vmem>>
    %dma_start3A_35 = arith.constant 0 : i32
    %dma_start3A_36 = arith.constant 0 : i32
    %dma_start3A_37 = tpu.memref_slice %arg3[%dma_start3A_35, %dma_start3A_36] : memref<100000x128xf32, #tpu.memory_space<hbm>> -> memref<100000x128xf32, #tpu.memory_space<hbm>>
    tpu.enqueue_indirect_dma source(%dma_start3A_37 : memref<100000x128xf32, #tpu.memory_space<hbm>>) target(%dma_start3A_31 : memref<128x128xf32, #tpu.memory_space<vmem>>) offsets(%dma_start3A_34 : memref<128xi32, #tpu.memory_space<vmem>>) semaphore(%arg9 : memref<!tpu.dma_semaphore, #tpu.memory_space<semaphore_mem>>)
    %dma_start3A_38 = arith.constant 3 : i32
    %dma_start3A_39 = arith.constant 3 : i32
    %dma_start3A_40 = arith.constant 0 : i32
    %dma_start3A_41 = arith.constant 0 : i32
    %dma_start3A_42 = tpu.memref_slice %arg6[%dma_start3A_39, %dma_start3A_40, %dma_start3A_41] : memref<7x128x128xf32, #tpu.memory_space<vmem>> -> memref<1x128x128xf32, #tpu.memory_space<vmem>>
    %dma_start3A_43 = tpu.memref_squeeze %dma_start3A_42 : memref<1x128x128xf32, #tpu.memory_space<vmem>> -> memref<128x128xf32, #tpu.memory_space<vmem>>
    %dma_start3A_44 = arith.constant 0 : i32
    %dma_start3A_45 = tpu.memref_slice %arg5[%dma_start3A_38, %dma_start3A_44] : memref<50x128xi32, #tpu.memory_space<vmem>> -> memref<1x128xi32, #tpu.memory_space<vmem>>
    %dma_start3A_46 = tpu.memref_squeeze %dma_start3A_45 : memref<1x128xi32, #tpu.memory_space<vmem>> -> memref<128xi32, #tpu.memory_space<vmem>>
    %dma_start3A_47 = arith.constant 0 : i32
    %dma_start3A_48 = arith.constant 0 : i32
    %dma_start3A_49 = tpu.memref_slice %arg3[%dma_start3A_47, %dma_start3A_48] : memref<100000x128xf32, #tpu.memory_space<hbm>> -> memref<100000x128xf32, #tpu.memory_space<hbm>>
    tpu.enqueue_indirect_dma source(%dma_start3A_49 : memref<100000x128xf32, #tpu.memory_space<hbm>>) target(%dma_start3A_43 : memref<128x128xf32, #tpu.memory_space<vmem>>) offsets(%dma_start3A_46 : memref<128xi32, #tpu.memory_space<vmem>>) semaphore(%arg10 : memref<!tpu.dma_semaphore, #tpu.memory_space<semaphore_mem>>)
    %dma_start3A_50 = arith.constant 4 : i32
    %dma_start3A_51 = arith.constant 4 : i32
    %dma_start3A_52 = arith.constant 0 : i32
    %dma_start3A_53 = arith.constant 0 : i32
    %dma_start3A_54 = tpu.memref_slice %arg6[%dma_start3A_51, %dma_start3A_52, %dma_start3A_53] : memref<7x128x128xf32, #tpu.memory_space<vmem>> -> memref<1x128x128xf32, #tpu.memory_space<vmem>>
    %dma_start3A_55 = tpu.memref_squeeze %dma_start3A_54 : memref<1x128x128xf32, #tpu.memory_space<vmem>> -> memref<128x128xf32, #tpu.memory_space<vmem>>
    %dma_start3A_56 = arith.constant 0 : i32
    %dma_start3A_57 = tpu.memref_slice %arg5[%dma_start3A_50, %dma_start3A_56] : memref<50x128xi32, #tpu.memory_space<vmem>> -> memref<1x128xi32, #tpu.memory_space<vmem>>
    %dma_start3A_58 = tpu.memref_squeeze %dma_start3A_57 : memref<1x128xi32, #tpu.memory_space<vmem>> -> memref<128xi32, #tpu.memory_space<vmem>>
    %dma_start3A_59 = arith.constant 0 : i32
    %dma_start3A_60 = arith.constant 0 : i32
    %dma_start3A_61 = tpu.memref_slice %arg3[%dma_start3A_59, %dma_start3A_60] : memref<100000x128xf32, #tpu.memory_space<hbm>> -> memref<100000x128xf32, #tpu.memory_space<hbm>>
    tpu.enqueue_indirect_dma source(%dma_start3A_61 : memref<100000x128xf32, #tpu.memory_space<hbm>>) target(%dma_start3A_55 : memref<128x128xf32, #tpu.memory_space<vmem>>) offsets(%dma_start3A_58 : memref<128xi32, #tpu.memory_space<vmem>>) semaphore(%arg11 : memref<!tpu.dma_semaphore, #tpu.memory_space<semaphore_mem>>)
    "tpu.region"() ({
      %run_scoped3A = tpu.sem_alloc : memref<!tpu.dma_semaphore, #tpu.memory_space<semaphore_mem>>
      %dma_start3A_847 = arith.constant 5 : i32
      %dma_start3A_848 = arith.constant 0 : i32
      %dma_start3A_849 = tpu.memref_slice %arg5[%dma_start3A_847, %dma_start3A_848] : memref<50x128xi32, #tpu.memory_space<vmem>> -> memref<45x128xi32, #tpu.memory_space<vmem>>
      %dma_start3A_850 = arith.constant 5 : i32
      %dma_start3A_851 = arith.constant 0 : i32
      %dma_start3A_852 = tpu.memref_slice %arg2[%dma_start3A_850, %add3A, %dma_start3A_851] : memref<50x32x128xi32, #tpu.memory_space<hbm>> -> memref<45x1x128xi32, #tpu.memory_space<hbm>>
      %dma_start3A_853 = tpu.memref_squeeze %dma_start3A_852 : memref<45x1x128xi32, #tpu.memory_space<hbm>> -> memref<45x128xi32, #tpu.memory_space<hbm>>
      %dma_start3A_854 = arith.constant 5 : i32
      %dma_start3A_855 = arith.constant 0 : i32
      %dma_start3A_856 = tpu.memref_slice %arg5[%dma_start3A_854, %dma_start3A_855] : memref<50x128xi32, #tpu.memory_space<vmem>> -> memref<45x128xi32, #tpu.memory_space<vmem>>
      %dma_start3A_857 = arith.constant 5 : i32
      %dma_start3A_858 = arith.constant 0 : i32
      %dma_start3A_859 = tpu.memref_slice %arg2[%dma_start3A_857, %add3A, %dma_start3A_858] : memref<50x32x128xi32, #tpu.memory_space<hbm>> -> memref<45x1x128xi32, #tpu.memory_space<hbm>>
      %dma_start3A_860 = tpu.memref_squeeze %dma_start3A_859 : memref<45x1x128xi32, #tpu.memory_space<hbm>> -> memref<45x128xi32, #tpu.memory_space<hbm>>
      tpu.enqueue_dma source(%dma_start3A_860 : memref<45x128xi32, #tpu.memory_space<hbm>>) target(%dma_start3A_856 : memref<45x128xi32, #tpu.memory_space<vmem>>) target_semaphore(%run_scoped3A : memref<!tpu.dma_semaphore, #tpu.memory_space<semaphore_mem>>)
      %dma_wait3A_861 = arith.constant 5 : i32
      %dma_wait3A_862 = arith.constant 0 : i32
      %dma_wait3A_863 = tpu.memref_slice %arg5[%dma_wait3A_861, %dma_wait3A_862] : memref<50x128xi32, #tpu.memory_space<vmem>> -> memref<45x128xi32, #tpu.memory_space<vmem>>
      %dma_wait3A_864 = arith.constant 5 : i32
      %dma_wait3A_865 = arith.constant 0 : i32
      %dma_wait3A_866 = tpu.memref_slice %arg2[%dma_wait3A_864, %add3A, %dma_wait3A_865] : memref<50x32x128xi32, #tpu.memory_space<hbm>> -> memref<45x1x128xi32, #tpu.memory_space<hbm>>
      %dma_wait3A_867 = tpu.memref_squeeze %dma_wait3A_866 : memref<45x1x128xi32, #tpu.memory_space<hbm>> -> memref<45x128xi32, #tpu.memory_space<hbm>>
      %dma_wait3A_868 = arith.constant 5 : i32
      %dma_wait3A_869 = arith.constant 0 : i32
      %dma_wait3A_870 = tpu.memref_slice %arg5[%dma_wait3A_868, %dma_wait3A_869] : memref<50x128xi32, #tpu.memory_space<vmem>> -> memref<45x128xi32, #tpu.memory_space<vmem>>
      %dma_wait3A_871 = arith.constant 5 : i32
      %dma_wait3A_872 = arith.constant 0 : i32
      %dma_wait3A_873 = tpu.memref_slice %arg2[%dma_wait3A_871, %add3A, %dma_wait3A_872] : memref<50x32x128xi32, #tpu.memory_space<hbm>> -> memref<45x1x128xi32, #tpu.memory_space<hbm>>
      %dma_wait3A_874 = tpu.memref_squeeze %dma_wait3A_873 : memref<45x1x128xi32, #tpu.memory_space<hbm>> -> memref<45x128xi32, #tpu.memory_space<hbm>>
      tpu.wait_dma2 semaphore(%run_scoped3A : memref<!tpu.dma_semaphore, #tpu.memory_space<semaphore_mem>>) src(%dma_wait3A_874 : memref<45x128xi32, #tpu.memory_space<hbm>>) dst(%dma_wait3A_870 : memref<45x128xi32, #tpu.memory_space<vmem>>)
      tpu.yield
    }) : () -> ()
    %dma_start3A_62 = arith.constant 5 : i32
    %dma_start3A_63 = arith.constant 5 : i32
    %dma_start3A_64 = arith.constant 0 : i32
    %dma_start3A_65 = arith.constant 0 : i32
    %dma_start3A_66 = tpu.memref_slice %arg6[%dma_start3A_63, %dma_start3A_64, %dma_start3A_65] : memref<7x128x128xf32, #tpu.memory_space<vmem>> -> memref<1x128x128xf32, #tpu.memory_space<vmem>>
    %dma_start3A_67 = tpu.memref_squeeze %dma_start3A_66 : memref<1x128x128xf32, #tpu.memory_space<vmem>> -> memref<128x128xf32, #tpu.memory_space<vmem>>
    %dma_start3A_68 = arith.constant 0 : i32
    %dma_start3A_69 = tpu.memref_slice %arg5[%dma_start3A_62, %dma_start3A_68] : memref<50x128xi32, #tpu.memory_space<vmem>> -> memref<1x128xi32, #tpu.memory_space<vmem>>
    %dma_start3A_70 = tpu.memref_squeeze %dma_start3A_69 : memref<1x128xi32, #tpu.memory_space<vmem>> -> memref<128xi32, #tpu.memory_space<vmem>>
    %dma_start3A_71 = arith.constant 0 : i32
    %dma_start3A_72 = arith.constant 0 : i32
    %dma_start3A_73 = tpu.memref_slice %arg3[%dma_start3A_71, %dma_start3A_72] : memref<100000x128xf32, #tpu.memory_space<hbm>> -> memref<100000x128xf32, #tpu.memory_space<hbm>>
    tpu.enqueue_indirect_dma source(%dma_start3A_73 : memref<100000x128xf32, #tpu.memory_space<hbm>>) target(%dma_start3A_67 : memref<128x128xf32, #tpu.memory_space<vmem>>) offsets(%dma_start3A_70 : memref<128xi32, #tpu.memory_space<vmem>>) semaphore(%arg12 : memref<!tpu.dma_semaphore, #tpu.memory_space<semaphore_mem>>)
    %dma_wait3A = arith.constant 0 : i32
    %dma_wait3A_74 = arith.constant 0 : i32
    %dma_wait3A_75 = arith.constant 0 : i32
    %dma_wait3A_76 = arith.constant 0 : i32
    %dma_wait3A_77 = tpu.memref_slice %arg6[%dma_wait3A_74, %dma_wait3A_75, %dma_wait3A_76] : memref<7x128x128xf32, #tpu.memory_space<vmem>> -> memref<1x128x128xf32, #tpu.memory_space<vmem>>
    %dma_wait3A_78 = tpu.memref_squeeze %dma_wait3A_77 : memref<1x128x128xf32, #tpu.memory_space<vmem>> -> memref<128x128xf32, #tpu.memory_space<vmem>>
    %dma_wait3A_79 = arith.constant 0 : i32
    %dma_wait3A_80 = tpu.memref_slice %arg5[%dma_wait3A, %dma_wait3A_79] : memref<50x128xi32, #tpu.memory_space<vmem>> -> memref<1x128xi32, #tpu.memory_space<vmem>>
    %dma_wait3A_81 = tpu.memref_squeeze %dma_wait3A_80 : memref<1x128xi32, #tpu.memory_space<vmem>> -> memref<128xi32, #tpu.memory_space<vmem>>
    %dma_wait3A_82 = arith.constant 0 : i32
    %dma_wait3A_83 = arith.constant 0 : i32
    %dma_wait3A_84 = tpu.memref_slice %arg3[%dma_wait3A_82, %dma_wait3A_83] : memref<100000x128xf32, #tpu.memory_space<hbm>> -> memref<100000x128xf32, #tpu.memory_space<hbm>>
    tpu.wait_indirect_dma semaphore(%arg7 : memref<!tpu.dma_semaphore, #tpu.memory_space<semaphore_mem>>) src(%dma_wait3A_84 : memref<100000x128xf32, #tpu.memory_space<hbm>>) dst(%dma_wait3A_78 : memref<128x128xf32, #tpu.memory_space<vmem>>)
    %dma_start3A_85 = arith.constant 0 : i32
    %dma_start3A_86 = arith.constant 0 : i32
    %dma_start3A_87 = arith.constant 0 : i32
    %dma_start3A_88 = arith.constant 0 : i32
    %dma_start3A_89 = tpu.memref_slice %arg6[%dma_start3A_85, %dma_start3A_87, %dma_start3A_88] : memref<7x128x128xf32, #tpu.memory_space<vmem>> -> memref<1x128x128xf32, #tpu.memory_space<vmem>>
    %dma_start3A_90 = tpu.memref_squeeze %dma_start3A_89 : memref<1x128x128xf32, #tpu.memory_space<vmem>> -> memref<128x128xf32, #tpu.memory_space<vmem>>
    %dma_start3A_91 = arith.constant 0 : i32
    %dma_start3A_92 = tpu.memref_slice %arg4[%dma_start3A_86, %mul3A_2, %dma_start3A_91] : memref<50x4096x128xf32, #tpu.memory_space<hbm>> -> memref<1x128x128xf32, #tpu.memory_space<hbm>>
    %dma_start3A_93 = tpu.memref_squeeze %dma_start3A_92 : memref<1x128x128xf32, #tpu.memory_space<hbm>> -> memref<128x128xf32, #tpu.memory_space<hbm>>
    %dma_start3A_94 = arith.constant 0 : i32
    %dma_start3A_95 = tpu.memref_slice %arg4[%dma_start3A_86, %mul3A_2, %dma_start3A_94] : memref<50x4096x128xf32, #tpu.memory_space<hbm>> -> memref<1x128x128xf32, #tpu.memory_space<hbm>>
    %dma_start3A_96 = tpu.memref_squeeze %dma_start3A_95 : memref<1x128x128xf32, #tpu.memory_space<hbm>> -> memref<128x128xf32, #tpu.memory_space<hbm>>
    %dma_start3A_97 = arith.constant 0 : i32
    %dma_start3A_98 = arith.constant 0 : i32
    %dma_start3A_99 = tpu.memref_slice %arg6[%dma_start3A_85, %dma_start3A_97, %dma_start3A_98] : memref<7x128x128xf32, #tpu.memory_space<vmem>> -> memref<1x128x128xf32, #tpu.memory_space<vmem>>
    %dma_start3A_100 = tpu.memref_squeeze %dma_start3A_99 : memref<1x128x128xf32, #tpu.memory_space<vmem>> -> memref<128x128xf32, #tpu.memory_space<vmem>>
    tpu.enqueue_dma source(%dma_start3A_100 : memref<128x128xf32, #tpu.memory_space<vmem>>) target(%dma_start3A_96 : memref<128x128xf32, #tpu.memory_space<hbm>>) target_semaphore(%arg14 : memref<!tpu.dma_semaphore, #tpu.memory_space<semaphore_mem>>)
    %dma_start3A_101 = arith.constant 6 : i32
    %dma_start3A_102 = arith.constant 6 : i32
    %dma_start3A_103 = arith.constant 0 : i32
    %dma_start3A_104 = arith.constant 0 : i32
    %dma_start3A_105 = tpu.memref_slice %arg6[%dma_start3A_102, %dma_start3A_103, %dma_start3A_104] : memref<7x128x128xf32, #tpu.memory_space<vmem>> -> memref<1x128x128xf32, #tpu.memory_space<vmem>>
    %dma_start3A_106 = tpu.memref_squeeze %dma_start3A_105 : memref<1x128x128xf32, #tpu.memory_space<vmem>> -> memref<128x128xf32, #tpu.memory_space<vmem>>
    %dma_start3A_107 = arith.constant 0 : i32
    %dma_start3A_108 = tpu.memref_slice %arg5[%dma_start3A_101, %dma_start3A_107] : memref<50x128xi32, #tpu.memory_space<vmem>> -> memref<1x128xi32, #tpu.memory_space<vmem>>
    %dma_start3A_109 = tpu.memref_squeeze %dma_start3A_108 : memref<1x128xi32, #tpu.memory_space<vmem>> -> memref<128xi32, #tpu.memory_space<vmem>>
    %dma_start3A_110 = arith.constant 0 : i32
    %dma_start3A_111 = arith.constant 0 : i32
    %dma_start3A_112 = tpu.memref_slice %arg3[%dma_start3A_110, %dma_start3A_111] : memref<100000x128xf32, #tpu.memory_space<hbm>> -> memref<100000x128xf32, #tpu.memory_space<hbm>>
    tpu.enqueue_indirect_dma source(%dma_start3A_112 : memref<100000x128xf32, #tpu.memory_space<hbm>>) target(%dma_start3A_106 : memref<128x128xf32, #tpu.memory_space<vmem>>) offsets(%dma_start3A_109 : memref<128xi32, #tpu.memory_space<vmem>>) semaphore(%arg13 : memref<!tpu.dma_semaphore, #tpu.memory_space<semaphore_mem>>)
    %dma_wait3A_113 = arith.constant 1 : i32
    %dma_wait3A_114 = arith.constant 1 : i32
    %dma_wait3A_115 = arith.constant 0 : i32
    %dma_wait3A_116 = arith.constant 0 : i32
    %dma_wait3A_117 = tpu.memref_slice %arg6[%dma_wait3A_114, %dma_wait3A_115, %dma_wait3A_116] : memref<7x128x128xf32, #tpu.memory_space<vmem>> -> memref<1x128x128xf32, #tpu.memory_space<vmem>>
    %dma_wait3A_118 = tpu.memref_squeeze %dma_wait3A_117 : memref<1x128x128xf32, #tpu.memory_space<vmem>> -> memref<128x128xf32, #tpu.memory_space<vmem>>
    %dma_wait3A_119 = arith.constant 0 : i32
    %dma_wait3A_120 = tpu.memref_slice %arg5[%dma_wait3A_113, %dma_wait3A_119] : memref<50x128xi32, #tpu.memory_space<vmem>> -> memref<1x128xi32, #tpu.memory_space<vmem>>
    %dma_wait3A_121 = tpu.memref_squeeze %dma_wait3A_120 : memref<1x128xi32, #tpu.memory_space<vmem>> -> memref<128xi32, #tpu.memory_space<vmem>>
    %dma_wait3A_122 = arith.constant 0 : i32
    %dma_wait3A_123 = arith.constant 0 : i32
    %dma_wait3A_124 = tpu.memref_slice %arg3[%dma_wait3A_122, %dma_wait3A_123] : memref<100000x128xf32, #tpu.memory_space<hbm>> -> memref<100000x128xf32, #tpu.memory_space<hbm>>
    tpu.wait_indirect_dma semaphore(%arg8 : memref<!tpu.dma_semaphore, #tpu.memory_space<semaphore_mem>>) src(%dma_wait3A_124 : memref<100000x128xf32, #tpu.memory_space<hbm>>) dst(%dma_wait3A_118 : memref<128x128xf32, #tpu.memory_space<vmem>>)
    %dma_start3A_125 = arith.constant 1 : i32
    %dma_start3A_126 = arith.constant 1 : i32
    %dma_start3A_127 = arith.constant 0 : i32
    %dma_start3A_128 = arith.constant 0 : i32
    %dma_start3A_129 = tpu.memref_slice %arg6[%dma_start3A_125, %dma_start3A_127, %dma_start3A_128] : memref<7x128x128xf32, #tpu.memory_space<vmem>> -> memref<1x128x128xf32, #tpu.memory_space<vmem>>
    %dma_start3A_130 = tpu.memref_squeeze %dma_start3A_129 : memref<1x128x128xf32, #tpu.memory_space<vmem>> -> memref<128x128xf32, #tpu.memory_space<vmem>>
    %dma_start3A_131 = arith.constant 0 : i32
    %dma_start3A_132 = tpu.memref_slice %arg4[%dma_start3A_126, %mul3A_2, %dma_start3A_131] : memref<50x4096x128xf32, #tpu.memory_space<hbm>> -> memref<1x128x128xf32, #tpu.memory_space<hbm>>
    %dma_start3A_133 = tpu.memref_squeeze %dma_start3A_132 : memref<1x128x128xf32, #tpu.memory_space<hbm>> -> memref<128x128xf32, #tpu.memory_space<hbm>>
    %dma_start3A_134 = arith.constant 0 : i32
    %dma_start3A_135 = tpu.memref_slice %arg4[%dma_start3A_126, %mul3A_2, %dma_start3A_134] : memref<50x4096x128xf32, #tpu.memory_space<hbm>> -> memref<1x128x128xf32, #tpu.memory_space<hbm>>
    %dma_start3A_136 = tpu.memref_squeeze %dma_start3A_135 : memref<1x128x128xf32, #tpu.memory_space<hbm>> -> memref<128x128xf32, #tpu.memory_space<hbm>>
    %dma_start3A_137 = arith.constant 0 : i32
    %dma_start3A_138 = arith.constant 0 : i32
    %dma_start3A_139 = tpu.memref_slice %arg6[%dma_start3A_125, %dma_start3A_137, %dma_start3A_138] : memref<7x128x128xf32, #tpu.memory_space<vmem>> -> memref<1x128x128xf32, #tpu.memory_space<vmem>>
    %dma_start3A_140 = tpu.memref_squeeze %dma_start3A_139 : memref<1x128x128xf32, #tpu.memory_space<vmem>> -> memref<128x128xf32, #tpu.memory_space<vmem>>
    tpu.enqueue_dma source(%dma_start3A_140 : memref<128x128xf32, #tpu.memory_space<vmem>>) target(%dma_start3A_136 : memref<128x128xf32, #tpu.memory_space<hbm>>) target_semaphore(%arg15 : memref<!tpu.dma_semaphore, #tpu.memory_space<semaphore_mem>>)
    %dma_wait3A_141 = arith.constant 0 : i32
    %dma_wait3A_142 = arith.constant 0 : i32
    %dma_wait3A_143 = arith.constant 0 : i32
    %dma_wait3A_144 = arith.constant 0 : i32
    %dma_wait3A_145 = tpu.memref_slice %arg6[%dma_wait3A_141, %dma_wait3A_143, %dma_wait3A_144] : memref<7x128x128xf32, #tpu.memory_space<vmem>> -> memref<1x128x128xf32, #tpu.memory_space<vmem>>
    %dma_wait3A_146 = tpu.memref_squeeze %dma_wait3A_145 : memref<1x128x128xf32, #tpu.memory_space<vmem>> -> memref<128x128xf32, #tpu.memory_space<vmem>>
    %dma_wait3A_147 = arith.constant 0 : i32
    %dma_wait3A_148 = tpu.memref_slice %arg4[%dma_wait3A_142, %mul3A_2, %dma_wait3A_147] : memref<50x4096x128xf32, #tpu.memory_space<hbm>> -> memref<1x128x128xf32, #tpu.memory_space<hbm>>
    %dma_wait3A_149 = tpu.memref_squeeze %dma_wait3A_148 : memref<1x128x128xf32, #tpu.memory_space<hbm>> -> memref<128x128xf32, #tpu.memory_space<hbm>>
    %dma_wait3A_150 = arith.constant 0 : i32
    %dma_wait3A_151 = tpu.memref_slice %arg4[%dma_wait3A_142, %mul3A_2, %dma_wait3A_150] : memref<50x4096x128xf32, #tpu.memory_space<hbm>> -> memref<1x128x128xf32, #tpu.memory_space<hbm>>
    %dma_wait3A_152 = tpu.memref_squeeze %dma_wait3A_151 : memref<1x128x128xf32, #tpu.memory_space<hbm>> -> memref<128x128xf32, #tpu.memory_space<hbm>>
    %dma_wait3A_153 = arith.constant 0 : i32
    %dma_wait3A_154 = arith.constant 0 : i32
    %dma_wait3A_155 = tpu.memref_slice %arg6[%dma_wait3A_141, %dma_wait3A_153, %dma_wait3A_154] : memref<7x128x128xf32, #tpu.memory_space<vmem>> -> memref<1x128x128xf32, #tpu.memory_space<vmem>>
    %dma_wait3A_156 = tpu.memref_squeeze %dma_wait3A_155 : memref<1x128x128xf32, #tpu.memory_space<vmem>> -> memref<128x128xf32, #tpu.memory_space<vmem>>
    tpu.wait_dma2 semaphore(%arg14 : memref<!tpu.dma_semaphore, #tpu.memory_space<semaphore_mem>>) src(%dma_wait3A_156 : memref<128x128xf32, #tpu.memory_space<vmem>>) dst(%dma_wait3A_152 : memref<128x128xf32, #tpu.memory_space<hbm>>)
    %dma_start3A_157 = arith.constant 7 : i32
    %dma_start3A_158 = arith.constant 0 : i32
    %dma_start3A_159 = arith.constant 0 : i32
    %dma_start3A_160 = arith.constant 0 : i32
    %dma_start3A_161 = tpu.memref_slice %arg6[%dma_start3A_158, %dma_start3A_159, %dma_start3A_160] : memref<7x128x128xf32, #tpu.memory_space<vmem>> -> memref<1x128x128xf32, #tpu.memory_space<vmem>>
    %dma_start3A_162 = tpu.memref_squeeze %dma_start3A_161 : memref<1x128x128xf32, #tpu.memory_space<vmem>> -> memref<128x128xf32, #tpu.memory_space<vmem>>
    %dma_start3A_163 = arith.constant 0 : i32
    %dma_start3A_164 = tpu.memref_slice %arg5[%dma_start3A_157, %dma_start3A_163] : memref<50x128xi32, #tpu.memory_space<vmem>> -> memref<1x128xi32, #tpu.memory_space<vmem>>
    %dma_start3A_165 = tpu.memref_squeeze %dma_start3A_164 : memref<1x128xi32, #tpu.memory_space<vmem>> -> memref<128xi32, #tpu.memory_space<vmem>>
    %dma_start3A_166 = arith.constant 0 : i32
    %dma_start3A_167 = arith.constant 0 : i32
    %dma_start3A_168 = tpu.memref_slice %arg3[%dma_start3A_166, %dma_start3A_167] : memref<100000x128xf32, #tpu.memory_space<hbm>> -> memref<100000x128xf32, #tpu.memory_space<hbm>>
    tpu.enqueue_indirect_dma source(%dma_start3A_168 : memref<100000x128xf32, #tpu.memory_space<hbm>>) target(%dma_start3A_162 : memref<128x128xf32, #tpu.memory_space<vmem>>) offsets(%dma_start3A_165 : memref<128xi32, #tpu.memory_space<vmem>>) semaphore(%arg7 : memref<!tpu.dma_semaphore, #tpu.memory_space<semaphore_mem>>)
    %dma_wait3A_169 = arith.constant 2 : i32
    %dma_wait3A_170 = arith.constant 2 : i32
    %dma_wait3A_171 = arith.constant 0 : i32
    %dma_wait3A_172 = arith.constant 0 : i32
    %dma_wait3A_173 = tpu.memref_slice %arg6[%dma_wait3A_170, %dma_wait3A_171, %dma_wait3A_172] : memref<7x128x128xf32, #tpu.memory_space<vmem>> -> memref<1x128x128xf32, #tpu.memory_space<vmem>>
    %dma_wait3A_174 = tpu.memref_squeeze %dma_wait3A_173 : memref<1x128x128xf32, #tpu.memory_space<vmem>> -> memref<128x128xf32, #tpu.memory_space<vmem>>
    %dma_wait3A_175 = arith.constant 0 : i32
    %dma_wait3A_176 = tpu.memref_slice %arg5[%dma_wait3A_169, %dma_wait3A_175] : memref<50x128xi32, #tpu.memory_space<vmem>> -> memref<1x128xi32, #tpu.memory_space<vmem>>
    %dma_wait3A_177 = tpu.memref_squeeze %dma_wait3A_176 : memref<1x128xi32, #tpu.memory_space<vmem>> -> memref<128xi32, #tpu.memory_space<vmem>>
    %dma_wait3A_178 = arith.constant 0 : i32
    %dma_wait3A_179 = arith.constant 0 : i32
    %dma_wait3A_180 = tpu.memref_slice %arg3[%dma_wait3A_178, %dma_wait3A_179] : memref<100000x128xf32, #tpu.memory_space<hbm>> -> memref<100000x128xf32, #tpu.memory_space<hbm>>
    tpu.wait_indirect_dma semaphore(%arg9 : memref<!tpu.dma_semaphore, #tpu.memory_space<semaphore_mem>>) src(%dma_wait3A_180 : memref<100000x128xf32, #tpu.memory_space<hbm>>) dst(%dma_wait3A_174 : memref<128x128xf32, #tpu.memory_space<vmem>>)
    %dma_start3A_181 = arith.constant 2 : i32
    %dma_start3A_182 = arith.constant 2 : i32
    %dma_start3A_183 = arith.constant 0 : i32
    %dma_start3A_184 = arith.constant 0 : i32
    %dma_start3A_185 = tpu.memref_slice %arg6[%dma_start3A_181, %dma_start3A_183, %dma_start3A_184] : memref<7x128x128xf32, #tpu.memory_space<vmem>> -> memref<1x128x128xf32, #tpu.memory_space<vmem>>
    %dma_start3A_186 = tpu.memref_squeeze %dma_start3A_185 : memref<1x128x128xf32, #tpu.memory_space<vmem>> -> memref<128x128xf32, #tpu.memory_space<vmem>>
    %dma_start3A_187 = arith.constant 0 : i32
    %dma_start3A_188 = tpu.memref_slice %arg4[%dma_start3A_182, %mul3A_2, %dma_start3A_187] : memref<50x4096x128xf32, #tpu.memory_space<hbm>> -> memref<1x128x128xf32, #tpu.memory_space<hbm>>
    %dma_start3A_189 = tpu.memref_squeeze %dma_start3A_188 : memref<1x128x128xf32, #tpu.memory_space<hbm>> -> memref<128x128xf32, #tpu.memory_space<hbm>>
    %dma_start3A_190 = arith.constant 0 : i32
    %dma_start3A_191 = tpu.memref_slice %arg4[%dma_start3A_182, %mul3A_2, %dma_start3A_190] : memref<50x4096x128xf32, #tpu.memory_space<hbm>> -> memref<1x128x128xf32, #tpu.memory_space<hbm>>
    %dma_start3A_192 = tpu.memref_squeeze %dma_start3A_191 : memref<1x128x128xf32, #tpu.memory_space<hbm>> -> memref<128x128xf32, #tpu.memory_space<hbm>>
    %dma_start3A_193 = arith.constant 0 : i32
    %dma_start3A_194 = arith.constant 0 : i32
    %dma_start3A_195 = tpu.memref_slice %arg6[%dma_start3A_181, %dma_start3A_193, %dma_start3A_194] : memref<7x128x128xf32, #tpu.memory_space<vmem>> -> memref<1x128x128xf32, #tpu.memory_space<vmem>>
    %dma_start3A_196 = tpu.memref_squeeze %dma_start3A_195 : memref<1x128x128xf32, #tpu.memory_space<vmem>> -> memref<128x128xf32, #tpu.memory_space<vmem>>
    tpu.enqueue_dma source(%dma_start3A_196 : memref<128x128xf32, #tpu.memory_space<vmem>>) target(%dma_start3A_192 : memref<128x128xf32, #tpu.memory_space<hbm>>) target_semaphore(%arg16 : memref<!tpu.dma_semaphore, #tpu.memory_space<semaphore_mem>>)
    %dma_wait3A_197 = arith.constant 1 : i32
    %dma_wait3A_198 = arith.constant 1 : i32
    %dma_wait3A_199 = arith.constant 0 : i32
    %dma_wait3A_200 = arith.constant 0 : i32
    %dma_wait3A_201 = tpu.memref_slice %arg6[%dma_wait3A_197, %dma_wait3A_199, %dma_wait3A_200] : memref<7x128x128xf32, #tpu.memory_space<vmem>> -> memref<1x128x128xf32, #tpu.memory_space<vmem>>
    %dma_wait3A_202 = tpu.memref_squeeze %dma_wait3A_201 : memref<1x128x128xf32, #tpu.memory_space<vmem>> -> memref<128x128xf32, #tpu.memory_space<vmem>>
    %dma_wait3A_203 = arith.constant 0 : i32
    %dma_wait3A_204 = tpu.memref_slice %arg4[%dma_wait3A_198, %mul3A_2, %dma_wait3A_203] : memref<50x4096x128xf32, #tpu.memory_space<hbm>> -> memref<1x128x128xf32, #tpu.memory_space<hbm>>
    %dma_wait3A_205 = tpu.memref_squeeze %dma_wait3A_204 : memref<1x128x128xf32, #tpu.memory_space<hbm>> -> memref<128x128xf32, #tpu.memory_space<hbm>>
    %dma_wait3A_206 = arith.constant 0 : i32
    %dma_wait3A_207 = tpu.memref_slice %arg4[%dma_wait3A_198, %mul3A_2, %dma_wait3A_206] : memref<50x4096x128xf32, #tpu.memory_space<hbm>> -> memref<1x128x128xf32, #tpu.memory_space<hbm>>
    %dma_wait3A_208 = tpu.memref_squeeze %dma_wait3A_207 : memref<1x128x128xf32, #tpu.memory_space<hbm>> -> memref<128x128xf32, #tpu.memory_space<hbm>>
    %dma_wait3A_209 = arith.constant 0 : i32
    %dma_wait3A_210 = arith.constant 0 : i32
    %dma_wait3A_211 = tpu.memref_slice %arg6[%dma_wait3A_197, %dma_wait3A_209, %dma_wait3A_210] : memref<7x128x128xf32, #tpu.memory_space<vmem>> -> memref<1x128x128xf32, #tpu.memory_space<vmem>>
    %dma_wait3A_212 = tpu.memref_squeeze %dma_wait3A_211 : memref<1x128x128xf32, #tpu.memory_space<vmem>> -> memref<128x128xf32, #tpu.memory_space<vmem>>
    tpu.wait_dma2 semaphore(%arg15 : memref<!tpu.dma_semaphore, #tpu.memory_space<semaphore_mem>>) src(%dma_wait3A_212 : memref<128x128xf32, #tpu.memory_space<vmem>>) dst(%dma_wait3A_208 : memref<128x128xf32, #tpu.memory_space<hbm>>)
    %dma_start3A_213 = arith.constant 8 : i32
    %dma_start3A_214 = arith.constant 1 : i32
    %dma_start3A_215 = arith.constant 0 : i32
    %dma_start3A_216 = arith.constant 0 : i32
    %dma_start3A_217 = tpu.memref_slice %arg6[%dma_start3A_214, %dma_start3A_215, %dma_start3A_216] : memref<7x128x128xf32, #tpu.memory_space<vmem>> -> memref<1x128x128xf32, #tpu.memory_space<vmem>>
    %dma_start3A_218 = tpu.memref_squeeze %dma_start3A_217 : memref<1x128x128xf32, #tpu.memory_space<vmem>> -> memref<128x128xf32, #tpu.memory_space<vmem>>
    %dma_start3A_219 = arith.constant 0 : i32
    %dma_start3A_220 = tpu.memref_slice %arg5[%dma_start3A_213, %dma_start3A_219] : memref<50x128xi32, #tpu.memory_space<vmem>> -> memref<1x128xi32, #tpu.memory_space<vmem>>
    %dma_start3A_221 = tpu.memref_squeeze %dma_start3A_220 : memref<1x128xi32, #tpu.memory_space<vmem>> -> memref<128xi32, #tpu.memory_space<vmem>>
    %dma_start3A_222 = arith.constant 0 : i32
    %dma_start3A_223 = arith.constant 0 : i32
    %dma_start3A_224 = tpu.memref_slice %arg3[%dma_start3A_222, %dma_start3A_223] : memref<100000x128xf32, #tpu.memory_space<hbm>> -> memref<100000x128xf32, #tpu.memory_space<hbm>>
    tpu.enqueue_indirect_dma source(%dma_start3A_224 : memref<100000x128xf32, #tpu.memory_space<hbm>>) target(%dma_start3A_218 : memref<128x128xf32, #tpu.memory_space<vmem>>) offsets(%dma_start3A_221 : memref<128xi32, #tpu.memory_space<vmem>>) semaphore(%arg8 : memref<!tpu.dma_semaphore, #tpu.memory_space<semaphore_mem>>)
    %dma_wait3A_225 = arith.constant 3 : i32
    %dma_wait3A_226 = arith.constant 3 : i32
    %dma_wait3A_227 = arith.constant 0 : i32
    %dma_wait3A_228 = arith.constant 0 : i32
    %dma_wait3A_229 = tpu.memref_slice %arg6[%dma_wait3A_226, %dma_wait3A_227, %dma_wait3A_228] : memref<7x128x128xf32, #tpu.memory_space<vmem>> -> memref<1x128x128xf32, #tpu.memory_space<vmem>>
    %dma_wait3A_230 = tpu.memref_squeeze %dma_wait3A_229 : memref<1x128x128xf32, #tpu.memory_space<vmem>> -> memref<128x128xf32, #tpu.memory_space<vmem>>
    %dma_wait3A_231 = arith.constant 0 : i32
    %dma_wait3A_232 = tpu.memref_slice %arg5[%dma_wait3A_225, %dma_wait3A_231] : memref<50x128xi32, #tpu.memory_space<vmem>> -> memref<1x128xi32, #tpu.memory_space<vmem>>
    %dma_wait3A_233 = tpu.memref_squeeze %dma_wait3A_232 : memref<1x128xi32, #tpu.memory_space<vmem>> -> memref<128xi32, #tpu.memory_space<vmem>>
    %dma_wait3A_234 = arith.constant 0 : i32
    %dma_wait3A_235 = arith.constant 0 : i32
    %dma_wait3A_236 = tpu.memref_slice %arg3[%dma_wait3A_234, %dma_wait3A_235] : memref<100000x128xf32, #tpu.memory_space<hbm>> -> memref<100000x128xf32, #tpu.memory_space<hbm>>
    tpu.wait_indirect_dma semaphore(%arg10 : memref<!tpu.dma_semaphore, #tpu.memory_space<semaphore_mem>>) src(%dma_wait3A_236 : memref<100000x128xf32, #tpu.memory_space<hbm>>) dst(%dma_wait3A_230 : memref<128x128xf32, #tpu.memory_space<vmem>>)
    %dma_start3A_237 = arith.constant 3 : i32
    %dma_start3A_238 = arith.constant 3 : i32
    %dma_start3A_239 = arith.constant 0 : i32
    %dma_start3A_240 = arith.constant 0 : i32
    %dma_start3A_241 = tpu.memref_slice %arg6[%dma_start3A_237, %dma_start3A_239, %dma_start3A_240] : memref<7x128x128xf32, #tpu.memory_space<vmem>> -> memref<1x128x128xf32, #tpu.memory_space<vmem>>
    %dma_start3A_242 = tpu.memref_squeeze %dma_start3A_241 : memref<1x128x128xf32, #tpu.memory_space<vmem>> -> memref<128x128xf32, #tpu.memory_space<vmem>>
    %dma_start3A_243 = arith.constant 0 : i32
    %dma_start3A_244 = tpu.memref_slice %arg4[%dma_start3A_238, %mul3A_2, %dma_start3A_243] : memref<50x4096x128xf32, #tpu.memory_space<hbm>> -> memref<1x128x128xf32, #tpu.memory_space<hbm>>
    %dma_start3A_245 = tpu.memref_squeeze %dma_start3A_244 : memref<1x128x128xf32, #tpu.memory_space<hbm>> -> memref<128x128xf32, #tpu.memory_space<hbm>>
    %dma_start3A_246 = arith.constant 0 : i32
    %dma_start3A_247 = tpu.memref_slice %arg4[%dma_start3A_238, %mul3A_2, %dma_start3A_246] : memref<50x4096x128xf32, #tpu.memory_space<hbm>> -> memref<1x128x128xf32, #tpu.memory_space<hbm>>
    %dma_start3A_248 = tpu.memref_squeeze %dma_start3A_247 : memref<1x128x128xf32, #tpu.memory_space<hbm>> -> memref<128x128xf32, #tpu.memory_space<hbm>>
    %dma_start3A_249 = arith.constant 0 : i32
    %dma_start3A_250 = arith.constant 0 : i32
    %dma_start3A_251 = tpu.memref_slice %arg6[%dma_start3A_237, %dma_start3A_249, %dma_start3A_250] : memref<7x128x128xf32, #tpu.memory_space<vmem>> -> memref<1x128x128xf32, #tpu.memory_space<vmem>>
    %dma_start3A_252 = tpu.memref_squeeze %dma_start3A_251 : memref<1x128x128xf32, #tpu.memory_space<vmem>> -> memref<128x128xf32, #tpu.memory_space<vmem>>
    tpu.enqueue_dma source(%dma_start3A_252 : memref<128x128xf32, #tpu.memory_space<vmem>>) target(%dma_start3A_248 : memref<128x128xf32, #tpu.memory_space<hbm>>) target_semaphore(%arg17 : memref<!tpu.dma_semaphore, #tpu.memory_space<semaphore_mem>>)
    %dma_wait3A_253 = arith.constant 2 : i32
    %dma_wait3A_254 = arith.constant 2 : i32
    %dma_wait3A_255 = arith.constant 0 : i32
    %dma_wait3A_256 = arith.constant 0 : i32
    %dma_wait3A_257 = tpu.memref_slice %arg6[%dma_wait3A_253, %dma_wait3A_255, %dma_wait3A_256] : memref<7x128x128xf32, #tpu.memory_space<vmem>> -> memref<1x128x128xf32, #tpu.memory_space<vmem>>
    %dma_wait3A_258 = tpu.memref_squeeze %dma_wait3A_257 : memref<1x128x128xf32, #tpu.memory_space<vmem>> -> memref<128x128xf32, #tpu.memory_space<vmem>>
    %dma_wait3A_259 = arith.constant 0 : i32
    %dma_wait3A_260 = tpu.memref_slice %arg4[%dma_wait3A_254, %mul3A_2, %dma_wait3A_259] : memref<50x4096x128xf32, #tpu.memory_space<hbm>> -> memref<1x128x128xf32, #tpu.memory_space<hbm>>
    %dma_wait3A_261 = tpu.memref_squeeze %dma_wait3A_260 : memref<1x128x128xf32, #tpu.memory_space<hbm>> -> memref<128x128xf32, #tpu.memory_space<hbm>>
    %dma_wait3A_262 = arith.constant 0 : i32
    %dma_wait3A_263 = tpu.memref_slice %arg4[%dma_wait3A_254, %mul3A_2, %dma_wait3A_262] : memref<50x4096x128xf32, #tpu.memory_space<hbm>> -> memref<1x128x128xf32, #tpu.memory_space<hbm>>
    %dma_wait3A_264 = tpu.memref_squeeze %dma_wait3A_263 : memref<1x128x128xf32, #tpu.memory_space<hbm>> -> memref<128x128xf32, #tpu.memory_space<hbm>>
    %dma_wait3A_265 = arith.constant 0 : i32
    %dma_wait3A_266 = arith.constant 0 : i32
    %dma_wait3A_267 = tpu.memref_slice %arg6[%dma_wait3A_253, %dma_wait3A_265, %dma_wait3A_266] : memref<7x128x128xf32, #tpu.memory_space<vmem>> -> memref<1x128x128xf32, #tpu.memory_space<vmem>>
    %dma_wait3A_268 = tpu.memref_squeeze %dma_wait3A_267 : memref<1x128x128xf32, #tpu.memory_space<vmem>> -> memref<128x128xf32, #tpu.memory_space<vmem>>
    tpu.wait_dma2 semaphore(%arg16 : memref<!tpu.dma_semaphore, #tpu.memory_space<semaphore_mem>>) src(%dma_wait3A_268 : memref<128x128xf32, #tpu.memory_space<vmem>>) dst(%dma_wait3A_264 : memref<128x128xf32, #tpu.memory_space<hbm>>)
    %dma_start3A_269 = arith.constant 9 : i32
    %dma_start3A_270 = arith.constant 2 : i32
    %dma_start3A_271 = arith.constant 0 : i32
    %dma_start3A_272 = arith.constant 0 : i32
    %dma_start3A_273 = tpu.memref_slice %arg6[%dma_start3A_270, %dma_start3A_271, %dma_start3A_272] : memref<7x128x128xf32, #tpu.memory_space<vmem>> -> memref<1x128x128xf32, #tpu.memory_space<vmem>>
    %dma_start3A_274 = tpu.memref_squeeze %dma_start3A_273 : memref<1x128x128xf32, #tpu.memory_space<vmem>> -> memref<128x128xf32, #tpu.memory_space<vmem>>
    %dma_start3A_275 = arith.constant 0 : i32
    %dma_start3A_276 = tpu.memref_slice %arg5[%dma_start3A_269, %dma_start3A_275] : memref<50x128xi32, #tpu.memory_space<vmem>> -> memref<1x128xi32, #tpu.memory_space<vmem>>
    %dma_start3A_277 = tpu.memref_squeeze %dma_start3A_276 : memref<1x128xi32, #tpu.memory_space<vmem>> -> memref<128xi32, #tpu.memory_space<vmem>>
    %dma_start3A_278 = arith.constant 0 : i32
    %dma_start3A_279 = arith.constant 0 : i32
    %dma_start3A_280 = tpu.memref_slice %arg3[%dma_start3A_278, %dma_start3A_279] : memref<100000x128xf32, #tpu.memory_space<hbm>> -> memref<100000x128xf32, #tpu.memory_space<hbm>>
    tpu.enqueue_indirect_dma source(%dma_start3A_280 : memref<100000x128xf32, #tpu.memory_space<hbm>>) target(%dma_start3A_274 : memref<128x128xf32, #tpu.memory_space<vmem>>) offsets(%dma_start3A_277 : memref<128xi32, #tpu.memory_space<vmem>>) semaphore(%arg9 : memref<!tpu.dma_semaphore, #tpu.memory_space<semaphore_mem>>)
    %dma_wait3A_281 = arith.constant 4 : i32
    %dma_wait3A_282 = arith.constant 4 : i32
    %dma_wait3A_283 = arith.constant 0 : i32
    %dma_wait3A_284 = arith.constant 0 : i32
    %dma_wait3A_285 = tpu.memref_slice %arg6[%dma_wait3A_282, %dma_wait3A_283, %dma_wait3A_284] : memref<7x128x128xf32, #tpu.memory_space<vmem>> -> memref<1x128x128xf32, #tpu.memory_space<vmem>>
    %dma_wait3A_286 = tpu.memref_squeeze %dma_wait3A_285 : memref<1x128x128xf32, #tpu.memory_space<vmem>> -> memref<128x128xf32, #tpu.memory_space<vmem>>
    %dma_wait3A_287 = arith.constant 0 : i32
    %dma_wait3A_288 = tpu.memref_slice %arg5[%dma_wait3A_281, %dma_wait3A_287] : memref<50x128xi32, #tpu.memory_space<vmem>> -> memref<1x128xi32, #tpu.memory_space<vmem>>
    %dma_wait3A_289 = tpu.memref_squeeze %dma_wait3A_288 : memref<1x128xi32, #tpu.memory_space<vmem>> -> memref<128xi32, #tpu.memory_space<vmem>>
    %dma_wait3A_290 = arith.constant 0 : i32
    %dma_wait3A_291 = arith.constant 0 : i32
    %dma_wait3A_292 = tpu.memref_slice %arg3[%dma_wait3A_290, %dma_wait3A_291] : memref<100000x128xf32, #tpu.memory_space<hbm>> -> memref<100000x128xf32, #tpu.memory_space<hbm>>
    tpu.wait_indirect_dma semaphore(%arg11 : memref<!tpu.dma_semaphore, #tpu.memory_space<semaphore_mem>>) src(%dma_wait3A_292 : memref<100000x128xf32, #tpu.memory_space<hbm>>) dst(%dma_wait3A_286 : memref<128x128xf32, #tpu.memory_space<vmem>>)
    %dma_start3A_293 = arith.constant 4 : i32
    %dma_start3A_294 = arith.constant 4 : i32
    %dma_start3A_295 = arith.constant 0 : i32
    %dma_start3A_296 = arith.constant 0 : i32
    %dma_start3A_297 = tpu.memref_slice %arg6[%dma_start3A_293, %dma_start3A_295, %dma_start3A_296] : memref<7x128x128xf32, #tpu.memory_space<vmem>> -> memref<1x128x128xf32, #tpu.memory_space<vmem>>
    %dma_start3A_298 = tpu.memref_squeeze %dma_start3A_297 : memref<1x128x128xf32, #tpu.memory_space<vmem>> -> memref<128x128xf32, #tpu.memory_space<vmem>>
    %dma_start3A_299 = arith.constant 0 : i32
    %dma_start3A_300 = tpu.memref_slice %arg4[%dma_start3A_294, %mul3A_2, %dma_start3A_299] : memref<50x4096x128xf32, #tpu.memory_space<hbm>> -> memref<1x128x128xf32, #tpu.memory_space<hbm>>
    %dma_start3A_301 = tpu.memref_squeeze %dma_start3A_300 : memref<1x128x128xf32, #tpu.memory_space<hbm>> -> memref<128x128xf32, #tpu.memory_space<hbm>>
    %dma_start3A_302 = arith.constant 0 : i32
    %dma_start3A_303 = tpu.memref_slice %arg4[%dma_start3A_294, %mul3A_2, %dma_start3A_302] : memref<50x4096x128xf32, #tpu.memory_space<hbm>> -> memref<1x128x128xf32, #tpu.memory_space<hbm>>
    %dma_start3A_304 = tpu.memref_squeeze %dma_start3A_303 : memref<1x128x128xf32, #tpu.memory_space<hbm>> -> memref<128x128xf32, #tpu.memory_space<hbm>>
    %dma_start3A_305 = arith.constant 0 : i32
    %dma_start3A_306 = arith.constant 0 : i32
    %dma_start3A_307 = tpu.memref_slice %arg6[%dma_start3A_293, %dma_start3A_305, %dma_start3A_306] : memref<7x128x128xf32, #tpu.memory_space<vmem>> -> memref<1x128x128xf32, #tpu.memory_space<vmem>>
    %dma_start3A_308 = tpu.memref_squeeze %dma_start3A_307 : memref<1x128x128xf32, #tpu.memory_space<vmem>> -> memref<128x128xf32, #tpu.memory_space<vmem>>
    tpu.enqueue_dma source(%dma_start3A_308 : memref<128x128xf32, #tpu.memory_space<vmem>>) target(%dma_start3A_304 : memref<128x128xf32, #tpu.memory_space<hbm>>) target_semaphore(%arg18 : memref<!tpu.dma_semaphore, #tpu.memory_space<semaphore_mem>>)
    %dma_wait3A_309 = arith.constant 3 : i32
    %dma_wait3A_310 = arith.constant 3 : i32
    %dma_wait3A_311 = arith.constant 0 : i32
    %dma_wait3A_312 = arith.constant 0 : i32
    %dma_wait3A_313 = tpu.memref_slice %arg6[%dma_wait3A_309, %dma_wait3A_311, %dma_wait3A_312] : memref<7x128x128xf32, #tpu.memory_space<vmem>> -> memref<1x128x128xf32, #tpu.memory_space<vmem>>
    %dma_wait3A_314 = tpu.memref_squeeze %dma_wait3A_313 : memref<1x128x128xf32, #tpu.memory_space<vmem>> -> memref<128x128xf32, #tpu.memory_space<vmem>>
    %dma_wait3A_315 = arith.constant 0 : i32
    %dma_wait3A_316 = tpu.memref_slice %arg4[%dma_wait3A_310, %mul3A_2, %dma_wait3A_315] : memref<50x4096x128xf32, #tpu.memory_space<hbm>> -> memref<1x128x128xf32, #tpu.memory_space<hbm>>
    %dma_wait3A_317 = tpu.memref_squeeze %dma_wait3A_316 : memref<1x128x128xf32, #tpu.memory_space<hbm>> -> memref<128x128xf32, #tpu.memory_space<hbm>>
    %dma_wait3A_318 = arith.constant 0 : i32
    %dma_wait3A_319 = tpu.memref_slice %arg4[%dma_wait3A_310, %mul3A_2, %dma_wait3A_318] : memref<50x4096x128xf32, #tpu.memory_space<hbm>> -> memref<1x128x128xf32, #tpu.memory_space<hbm>>
    %dma_wait3A_320 = tpu.memref_squeeze %dma_wait3A_319 : memref<1x128x128xf32, #tpu.memory_space<hbm>> -> memref<128x128xf32, #tpu.memory_space<hbm>>
    %dma_wait3A_321 = arith.constant 0 : i32
    %dma_wait3A_322 = arith.constant 0 : i32
    %dma_wait3A_323 = tpu.memref_slice %arg6[%dma_wait3A_309, %dma_wait3A_321, %dma_wait3A_322] : memref<7x128x128xf32, #tpu.memory_space<vmem>> -> memref<1x128x128xf32, #tpu.memory_space<vmem>>
    %dma_wait3A_324 = tpu.memref_squeeze %dma_wait3A_323 : memref<1x128x128xf32, #tpu.memory_space<vmem>> -> memref<128x128xf32, #tpu.memory_space<vmem>>
    tpu.wait_dma2 semaphore(%arg17 : memref<!tpu.dma_semaphore, #tpu.memory_space<semaphore_mem>>) src(%dma_wait3A_324 : memref<128x128xf32, #tpu.memory_space<vmem>>) dst(%dma_wait3A_320 : memref<128x128xf32, #tpu.memory_space<hbm>>)
    %dma_start3A_325 = arith.constant 10 : i32
    %dma_start3A_326 = arith.constant 3 : i32
    %dma_start3A_327 = arith.constant 0 : i32
    %dma_start3A_328 = arith.constant 0 : i32
    %dma_start3A_329 = tpu.memref_slice %arg6[%dma_start3A_326, %dma_start3A_327, %dma_start3A_328] : memref<7x128x128xf32, #tpu.memory_space<vmem>> -> memref<1x128x128xf32, #tpu.memory_space<vmem>>
    %dma_start3A_330 = tpu.memref_squeeze %dma_start3A_329 : memref<1x128x128xf32, #tpu.memory_space<vmem>> -> memref<128x128xf32, #tpu.memory_space<vmem>>
    %dma_start3A_331 = arith.constant 0 : i32
    %dma_start3A_332 = tpu.memref_slice %arg5[%dma_start3A_325, %dma_start3A_331] : memref<50x128xi32, #tpu.memory_space<vmem>> -> memref<1x128xi32, #tpu.memory_space<vmem>>
    %dma_start3A_333 = tpu.memref_squeeze %dma_start3A_332 : memref<1x128xi32, #tpu.memory_space<vmem>> -> memref<128xi32, #tpu.memory_space<vmem>>
    %dma_start3A_334 = arith.constant 0 : i32
    %dma_start3A_335 = arith.constant 0 : i32
    %dma_start3A_336 = tpu.memref_slice %arg3[%dma_start3A_334, %dma_start3A_335] : memref<100000x128xf32, #tpu.memory_space<hbm>> -> memref<100000x128xf32, #tpu.memory_space<hbm>>
    tpu.enqueue_indirect_dma source(%dma_start3A_336 : memref<100000x128xf32, #tpu.memory_space<hbm>>) target(%dma_start3A_330 : memref<128x128xf32, #tpu.memory_space<vmem>>) offsets(%dma_start3A_333 : memref<128xi32, #tpu.memory_space<vmem>>) semaphore(%arg10 : memref<!tpu.dma_semaphore, #tpu.memory_space<semaphore_mem>>)
    %dma_wait3A_337 = arith.constant 5 : i32
    %dma_wait3A_338 = arith.constant 5 : i32
    %dma_wait3A_339 = arith.constant 0 : i32
    %dma_wait3A_340 = arith.constant 0 : i32
    %dma_wait3A_341 = tpu.memref_slice %arg6[%dma_wait3A_338, %dma_wait3A_339, %dma_wait3A_340] : memref<7x128x128xf32, #tpu.memory_space<vmem>> -> memref<1x128x128xf32, #tpu.memory_space<vmem>>
    %dma_wait3A_342 = tpu.memref_squeeze %dma_wait3A_341 : memref<1x128x128xf32, #tpu.memory_space<vmem>> -> memref<128x128xf32, #tpu.memory_space<vmem>>
    %dma_wait3A_343 = arith.constant 0 : i32
    %dma_wait3A_344 = tpu.memref_slice %arg5[%dma_wait3A_337, %dma_wait3A_343] : memref<50x128xi32, #tpu.memory_space<vmem>> -> memref<1x128xi32, #tpu.memory_space<vmem>>
    %dma_wait3A_345 = tpu.memref_squeeze %dma_wait3A_344 : memref<1x128xi32, #tpu.memory_space<vmem>> -> memref<128xi32, #tpu.memory_space<vmem>>
    %dma_wait3A_346 = arith.constant 0 : i32
    %dma_wait3A_347 = arith.constant 0 : i32
    %dma_wait3A_348 = tpu.memref_slice %arg3[%dma_wait3A_346, %dma_wait3A_347] : memref<100000x128xf32, #tpu.memory_space<hbm>> -> memref<100000x128xf32, #tpu.memory_space<hbm>>
    tpu.wait_indirect_dma semaphore(%arg12 : memref<!tpu.dma_semaphore, #tpu.memory_space<semaphore_mem>>) src(%dma_wait3A_348 : memref<100000x128xf32, #tpu.memory_space<hbm>>) dst(%dma_wait3A_342 : memref<128x128xf32, #tpu.memory_space<vmem>>)
    %dma_start3A_349 = arith.constant 5 : i32
    %dma_start3A_350 = arith.constant 5 : i32
    %dma_start3A_351 = arith.constant 0 : i32
    %dma_start3A_352 = arith.constant 0 : i32
    %dma_start3A_353 = tpu.memref_slice %arg6[%dma_start3A_349, %dma_start3A_351, %dma_start3A_352] : memref<7x128x128xf32, #tpu.memory_space<vmem>> -> memref<1x128x128xf32, #tpu.memory_space<vmem>>
    %dma_start3A_354 = tpu.memref_squeeze %dma_start3A_353 : memref<1x128x128xf32, #tpu.memory_space<vmem>> -> memref<128x128xf32, #tpu.memory_space<vmem>>
    %dma_start3A_355 = arith.constant 0 : i32
    %dma_start3A_356 = tpu.memref_slice %arg4[%dma_start3A_350, %mul3A_2, %dma_start3A_355] : memref<50x4096x128xf32, #tpu.memory_space<hbm>> -> memref<1x128x128xf32, #tpu.memory_space<hbm>>
    %dma_start3A_357 = tpu.memref_squeeze %dma_start3A_356 : memref<1x128x128xf32, #tpu.memory_space<hbm>> -> memref<128x128xf32, #tpu.memory_space<hbm>>
    %dma_start3A_358 = arith.constant 0 : i32
    %dma_start3A_359 = tpu.memref_slice %arg4[%dma_start3A_350, %mul3A_2, %dma_start3A_358] : memref<50x4096x128xf32, #tpu.memory_space<hbm>> -> memref<1x128x128xf32, #tpu.memory_space<hbm>>
    %dma_start3A_360 = tpu.memref_squeeze %dma_start3A_359 : memref<1x128x128xf32, #tpu.memory_space<hbm>> -> memref<128x128xf32, #tpu.memory_space<hbm>>
    %dma_start3A_361 = arith.constant 0 : i32
    %dma_start3A_362 = arith.constant 0 : i32
    %dma_start3A_363 = tpu.memref_slice %arg6[%dma_start3A_349, %dma_start3A_361, %dma_start3A_362] : memref<7x128x128xf32, #tpu.memory_space<vmem>> -> memref<1x128x128xf32, #tpu.memory_space<vmem>>
    %dma_start3A_364 = tpu.memref_squeeze %dma_start3A_363 : memref<1x128x128xf32, #tpu.memory_space<vmem>> -> memref<128x128xf32, #tpu.memory_space<vmem>>
    tpu.enqueue_dma source(%dma_start3A_364 : memref<128x128xf32, #tpu.memory_space<vmem>>) target(%dma_start3A_360 : memref<128x128xf32, #tpu.memory_space<hbm>>) target_semaphore(%arg19 : memref<!tpu.dma_semaphore, #tpu.memory_space<semaphore_mem>>)
    %dma_wait3A_365 = arith.constant 4 : i32
    %dma_wait3A_366 = arith.constant 4 : i32
    %dma_wait3A_367 = arith.constant 0 : i32
    %dma_wait3A_368 = arith.constant 0 : i32
    %dma_wait3A_369 = tpu.memref_slice %arg6[%dma_wait3A_365, %dma_wait3A_367, %dma_wait3A_368] : memref<7x128x128xf32, #tpu.memory_space<vmem>> -> memref<1x128x128xf32, #tpu.memory_space<vmem>>
    %dma_wait3A_370 = tpu.memref_squeeze %dma_wait3A_369 : memref<1x128x128xf32, #tpu.memory_space<vmem>> -> memref<128x128xf32, #tpu.memory_space<vmem>>
    %dma_wait3A_371 = arith.constant 0 : i32
    %dma_wait3A_372 = tpu.memref_slice %arg4[%dma_wait3A_366, %mul3A_2, %dma_wait3A_371] : memref<50x4096x128xf32, #tpu.memory_space<hbm>> -> memref<1x128x128xf32, #tpu.memory_space<hbm>>
    %dma_wait3A_373 = tpu.memref_squeeze %dma_wait3A_372 : memref<1x128x128xf32, #tpu.memory_space<hbm>> -> memref<128x128xf32, #tpu.memory_space<hbm>>
    %dma_wait3A_374 = arith.constant 0 : i32
    %dma_wait3A_375 = tpu.memref_slice %arg4[%dma_wait3A_366, %mul3A_2, %dma_wait3A_374] : memref<50x4096x128xf32, #tpu.memory_space<hbm>> -> memref<1x128x128xf32, #tpu.memory_space<hbm>>
    %dma_wait3A_376 = tpu.memref_squeeze %dma_wait3A_375 : memref<1x128x128xf32, #tpu.memory_space<hbm>> -> memref<128x128xf32, #tpu.memory_space<hbm>>
    %dma_wait3A_377 = arith.constant 0 : i32
    %dma_wait3A_378 = arith.constant 0 : i32
    %dma_wait3A_379 = tpu.memref_slice %arg6[%dma_wait3A_365, %dma_wait3A_377, %dma_wait3A_378] : memref<7x128x128xf32, #tpu.memory_space<vmem>> -> memref<1x128x128xf32, #tpu.memory_space<vmem>>
    %dma_wait3A_380 = tpu.memref_squeeze %dma_wait3A_379 : memref<1x128x128xf32, #tpu.memory_space<vmem>> -> memref<128x128xf32, #tpu.memory_space<vmem>>
    tpu.wait_dma2 semaphore(%arg18 : memref<!tpu.dma_semaphore, #tpu.memory_space<semaphore_mem>>) src(%dma_wait3A_380 : memref<128x128xf32, #tpu.memory_space<vmem>>) dst(%dma_wait3A_376 : memref<128x128xf32, #tpu.memory_space<hbm>>)
    %dma_start3A_381 = arith.constant 11 : i32
    %dma_start3A_382 = arith.constant 4 : i32
    %dma_start3A_383 = arith.constant 0 : i32
    %dma_start3A_384 = arith.constant 0 : i32
    %dma_start3A_385 = tpu.memref_slice %arg6[%dma_start3A_382, %dma_start3A_383, %dma_start3A_384] : memref<7x128x128xf32, #tpu.memory_space<vmem>> -> memref<1x128x128xf32, #tpu.memory_space<vmem>>
    %dma_start3A_386 = tpu.memref_squeeze %dma_start3A_385 : memref<1x128x128xf32, #tpu.memory_space<vmem>> -> memref<128x128xf32, #tpu.memory_space<vmem>>
    %dma_start3A_387 = arith.constant 0 : i32
    %dma_start3A_388 = tpu.memref_slice %arg5[%dma_start3A_381, %dma_start3A_387] : memref<50x128xi32, #tpu.memory_space<vmem>> -> memref<1x128xi32, #tpu.memory_space<vmem>>
    %dma_start3A_389 = tpu.memref_squeeze %dma_start3A_388 : memref<1x128xi32, #tpu.memory_space<vmem>> -> memref<128xi32, #tpu.memory_space<vmem>>
    %dma_start3A_390 = arith.constant 0 : i32
    %dma_start3A_391 = arith.constant 0 : i32
    %dma_start3A_392 = tpu.memref_slice %arg3[%dma_start3A_390, %dma_start3A_391] : memref<100000x128xf32, #tpu.memory_space<hbm>> -> memref<100000x128xf32, #tpu.memory_space<hbm>>
    tpu.enqueue_indirect_dma source(%dma_start3A_392 : memref<100000x128xf32, #tpu.memory_space<hbm>>) target(%dma_start3A_386 : memref<128x128xf32, #tpu.memory_space<vmem>>) offsets(%dma_start3A_389 : memref<128xi32, #tpu.memory_space<vmem>>) semaphore(%arg11 : memref<!tpu.dma_semaphore, #tpu.memory_space<semaphore_mem>>)
    %dma_wait3A_393 = arith.constant 6 : i32
    %dma_wait3A_394 = arith.constant 6 : i32
    %dma_wait3A_395 = arith.constant 0 : i32
    %dma_wait3A_396 = arith.constant 0 : i32
    %dma_wait3A_397 = tpu.memref_slice %arg6[%dma_wait3A_394, %dma_wait3A_395, %dma_wait3A_396] : memref<7x128x128xf32, #tpu.memory_space<vmem>> -> memref<1x128x128xf32, #tpu.memory_space<vmem>>
    %dma_wait3A_398 = tpu.memref_squeeze %dma_wait3A_397 : memref<1x128x128xf32, #tpu.memory_space<vmem>> -> memref<128x128xf32, #tpu.memory_space<vmem>>
    %dma_wait3A_399 = arith.constant 0 : i32
    %dma_wait3A_400 = tpu.memref_slice %arg5[%dma_wait3A_393, %dma_wait3A_399] : memref<50x128xi32, #tpu.memory_space<vmem>> -> memref<1x128xi32, #tpu.memory_space<vmem>>
    %dma_wait3A_401 = tpu.memref_squeeze %dma_wait3A_400 : memref<1x128xi32, #tpu.memory_space<vmem>> -> memref<128xi32, #tpu.memory_space<vmem>>
    %dma_wait3A_402 = arith.constant 0 : i32
    %dma_wait3A_403 = arith.constant 0 : i32
    %dma_wait3A_404 = tpu.memref_slice %arg3[%dma_wait3A_402, %dma_wait3A_403] : memref<100000x128xf32, #tpu.memory_space<hbm>> -> memref<100000x128xf32, #tpu.memory_space<hbm>>
    tpu.wait_indirect_dma semaphore(%arg13 : memref<!tpu.dma_semaphore, #tpu.memory_space<semaphore_mem>>) src(%dma_wait3A_404 : memref<100000x128xf32, #tpu.memory_space<hbm>>) dst(%dma_wait3A_398 : memref<128x128xf32, #tpu.memory_space<vmem>>)
    %dma_start3A_405 = arith.constant 6 : i32
    %dma_start3A_406 = arith.constant 6 : i32
    %dma_start3A_407 = arith.constant 0 : i32
    %dma_start3A_408 = arith.constant 0 : i32
    %dma_start3A_409 = tpu.memref_slice %arg6[%dma_start3A_405, %dma_start3A_407, %dma_start3A_408] : memref<7x128x128xf32, #tpu.memory_space<vmem>> -> memref<1x128x128xf32, #tpu.memory_space<vmem>>
    %dma_start3A_410 = tpu.memref_squeeze %dma_start3A_409 : memref<1x128x128xf32, #tpu.memory_space<vmem>> -> memref<128x128xf32, #tpu.memory_space<vmem>>
    %dma_start3A_411 = arith.constant 0 : i32
    %dma_start3A_412 = tpu.memref_slice %arg4[%dma_start3A_406, %mul3A_2, %dma_start3A_411] : memref<50x4096x128xf32, #tpu.memory_space<hbm>> -> memref<1x128x128xf32, #tpu.memory_space<hbm>>
    %dma_start3A_413 = tpu.memref_squeeze %dma_start3A_412 : memref<1x128x128xf32, #tpu.memory_space<hbm>> -> memref<128x128xf32, #tpu.memory_space<hbm>>
    %dma_start3A_414 = arith.constant 0 : i32
    %dma_start3A_415 = tpu.memref_slice %arg4[%dma_start3A_406, %mul3A_2, %dma_start3A_414] : memref<50x4096x128xf32, #tpu.memory_space<hbm>> -> memref<1x128x128xf32, #tpu.memory_space<hbm>>
    %dma_start3A_416 = tpu.memref_squeeze %dma_start3A_415 : memref<1x128x128xf32, #tpu.memory_space<hbm>> -> memref<128x128xf32, #tpu.memory_space<hbm>>
    %dma_start3A_417 = arith.constant 0 : i32
    %dma_start3A_418 = arith.constant 0 : i32
    %dma_start3A_419 = tpu.memref_slice %arg6[%dma_start3A_405, %dma_start3A_417, %dma_start3A_418] : memref<7x128x128xf32, #tpu.memory_space<vmem>> -> memref<1x128x128xf32, #tpu.memory_space<vmem>>
    %dma_start3A_420 = tpu.memref_squeeze %dma_start3A_419 : memref<1x128x128xf32, #tpu.memory_space<vmem>> -> memref<128x128xf32, #tpu.memory_space<vmem>>
    tpu.enqueue_dma source(%dma_start3A_420 : memref<128x128xf32, #tpu.memory_space<vmem>>) target(%dma_start3A_416 : memref<128x128xf32, #tpu.memory_space<hbm>>) target_semaphore(%arg20 : memref<!tpu.dma_semaphore, #tpu.memory_space<semaphore_mem>>)
    %scan3A = arith.constant 0 : i32
    %scan3A_421 = arith.constant 0 : i32
    %scan3A_422 = arith.constant 5 : i32
    %scan3A_423 = arith.addi %scan3A_421, %scan3A_422 : i32
    %scan3A_424 = arith.constant 1 : i32
    %scan3A_425 = scf.for %scan3A_847 = %scan3A_421 to %scan3A_423 step %scan3A_424 iter_args(%scan3A_848 = %scan3A) -> (i32)  : i32 {
      %mul3A_849 = arith.constant 7 : i32
      %mul3A_850 = arith.muli %mul3A_849, %scan3A_847 : i32
      %add3A_851 = arith.constant 7 : i32
      %add3A_852 = arith.addi %add3A_851, %mul3A_850 : i32
      %add3A_853 = arith.constant 0 : i32
      %add3A_854 = arith.addi %add3A_852, %add3A_853 : i32
      %sub3A = arith.constant 2 : i32
      %sub3A_855 = arith.subi %add3A_854, %sub3A : i32
      %dma_wait3A_856 = arith.constant 5 : i32
      %dma_wait3A_857 = arith.constant 0 : i32
      %dma_wait3A_858 = arith.constant 0 : i32
      %dma_wait3A_859 = tpu.memref_slice %arg6[%dma_wait3A_856, %dma_wait3A_857, %dma_wait3A_858] : memref<7x128x128xf32, #tpu.memory_space<vmem>> -> memref<1x128x128xf32, #tpu.memory_space<vmem>>
      %dma_wait3A_860 = tpu.memref_squeeze %dma_wait3A_859 : memref<1x128x128xf32, #tpu.memory_space<vmem>> -> memref<128x128xf32, #tpu.memory_space<vmem>>
      %dma_wait3A_861 = arith.constant 0 : i32
      %dma_wait3A_862 = tpu.memref_slice %arg4[%sub3A_855, %mul3A_2, %dma_wait3A_861] : memref<50x4096x128xf32, #tpu.memory_space<hbm>> -> memref<1x128x128xf32, #tpu.memory_space<hbm>>
      %dma_wait3A_863 = tpu.memref_squeeze %dma_wait3A_862 : memref<1x128x128xf32, #tpu.memory_space<hbm>> -> memref<128x128xf32, #tpu.memory_space<hbm>>
      %dma_wait3A_864 = arith.constant 0 : i32
      %dma_wait3A_865 = tpu.memref_slice %arg4[%sub3A_855, %mul3A_2, %dma_wait3A_864] : memref<50x4096x128xf32, #tpu.memory_space<hbm>> -> memref<1x128x128xf32, #tpu.memory_space<hbm>>
      %dma_wait3A_866 = tpu.memref_squeeze %dma_wait3A_865 : memref<1x128x128xf32, #tpu.memory_space<hbm>> -> memref<128x128xf32, #tpu.memory_space<hbm>>
      %dma_wait3A_867 = arith.constant 0 : i32
      %dma_wait3A_868 = arith.constant 0 : i32
      %dma_wait3A_869 = tpu.memref_slice %arg6[%dma_wait3A_856, %dma_wait3A_867, %dma_wait3A_868] : memref<7x128x128xf32, #tpu.memory_space<vmem>> -> memref<1x128x128xf32, #tpu.memory_space<vmem>>
      %dma_wait3A_870 = tpu.memref_squeeze %dma_wait3A_869 : memref<1x128x128xf32, #tpu.memory_space<vmem>> -> memref<128x128xf32, #tpu.memory_space<vmem>>
      tpu.wait_dma2 semaphore(%arg19 : memref<!tpu.dma_semaphore, #tpu.memory_space<semaphore_mem>>) src(%dma_wait3A_870 : memref<128x128xf32, #tpu.memory_space<vmem>>) dst(%dma_wait3A_866 : memref<128x128xf32, #tpu.memory_space<hbm>>)
      %add3A_871 = arith.constant 5 : i32
      %add3A_872 = arith.addi %add3A_854, %add3A_871 : i32
      %dma_start3A_873 = arith.constant 5 : i32
      %dma_start3A_874 = arith.constant 0 : i32
      %dma_start3A_875 = arith.constant 0 : i32
      %dma_start3A_876 = tpu.memref_slice %arg6[%dma_start3A_873, %dma_start3A_874, %dma_start3A_875] : memref<7x128x128xf32, #tpu.memory_space<vmem>> -> memref<1x128x128xf32, #tpu.memory_space<vmem>>
      %dma_start3A_877 = tpu.memref_squeeze %dma_start3A_876 : memref<1x128x128xf32, #tpu.memory_space<vmem>> -> memref<128x128xf32, #tpu.memory_space<vmem>>
      %dma_start3A_878 = arith.constant 0 : i32
      %dma_start3A_879 = tpu.memref_slice %arg5[%add3A_872, %dma_start3A_878] : memref<50x128xi32, #tpu.memory_space<vmem>> -> memref<1x128xi32, #tpu.memory_space<vmem>>
      %dma_start3A_880 = tpu.memref_squeeze %dma_start3A_879 : memref<1x128xi32, #tpu.memory_space<vmem>> -> memref<128xi32, #tpu.memory_space<vmem>>
      %dma_start3A_881 = arith.constant 0 : i32
      %dma_start3A_882 = arith.constant 0 : i32
      %dma_start3A_883 = tpu.memref_slice %arg3[%dma_start3A_881, %dma_start3A_882] : memref<100000x128xf32, #tpu.memory_space<hbm>> -> memref<100000x128xf32, #tpu.memory_space<hbm>>
      tpu.enqueue_indirect_dma source(%dma_start3A_883 : memref<100000x128xf32, #tpu.memory_space<hbm>>) target(%dma_start3A_877 : memref<128x128xf32, #tpu.memory_space<vmem>>) offsets(%dma_start3A_880 : memref<128xi32, #tpu.memory_space<vmem>>) semaphore(%arg12 : memref<!tpu.dma_semaphore, #tpu.memory_space<semaphore_mem>>)
      %dma_wait3A_884 = arith.constant 0 : i32
      %dma_wait3A_885 = arith.constant 0 : i32
      %dma_wait3A_886 = arith.constant 0 : i32
      %dma_wait3A_887 = tpu.memref_slice %arg6[%dma_wait3A_884, %dma_wait3A_885, %dma_wait3A_886] : memref<7x128x128xf32, #tpu.memory_space<vmem>> -> memref<1x128x128xf32, #tpu.memory_space<vmem>>
      %dma_wait3A_888 = tpu.memref_squeeze %dma_wait3A_887 : memref<1x128x128xf32, #tpu.memory_space<vmem>> -> memref<128x128xf32, #tpu.memory_space<vmem>>
      %dma_wait3A_889 = arith.constant 0 : i32
      %dma_wait3A_890 = tpu.memref_slice %arg5[%add3A_854, %dma_wait3A_889] : memref<50x128xi32, #tpu.memory_space<vmem>> -> memref<1x128xi32, #tpu.memory_space<vmem>>
      %dma_wait3A_891 = tpu.memref_squeeze %dma_wait3A_890 : memref<1x128xi32, #tpu.memory_space<vmem>> -> memref<128xi32, #tpu.memory_space<vmem>>
      %dma_wait3A_892 = arith.constant 0 : i32
      %dma_wait3A_893 = arith.constant 0 : i32
      %dma_wait3A_894 = tpu.memref_slice %arg3[%dma_wait3A_892, %dma_wait3A_893] : memref<100000x128xf32, #tpu.memory_space<hbm>> -> memref<100000x128xf32, #tpu.memory_space<hbm>>
      tpu.wait_indirect_dma semaphore(%arg7 : memref<!tpu.dma_semaphore, #tpu.memory_space<semaphore_mem>>) src(%dma_wait3A_894 : memref<100000x128xf32, #tpu.memory_space<hbm>>) dst(%dma_wait3A_888 : memref<128x128xf32, #tpu.memory_space<vmem>>)
      %dma_start3A_895 = arith.constant 0 : i32
      %dma_start3A_896 = arith.constant 0 : i32
      %dma_start3A_897 = arith.constant 0 : i32
      %dma_start3A_898 = tpu.memref_slice %arg6[%dma_start3A_895, %dma_start3A_896, %dma_start3A_897] : memref<7x128x128xf32, #tpu.memory_space<vmem>> -> memref<1x128x128xf32, #tpu.memory_space<vmem>>
      %dma_start3A_899 = tpu.memref_squeeze %dma_start3A_898 : memref<1x128x128xf32, #tpu.memory_space<vmem>> -> memref<128x128xf32, #tpu.memory_space<vmem>>
      %dma_start3A_900 = arith.constant 0 : i32
      %dma_start3A_901 = tpu.memref_slice %arg4[%add3A_854, %mul3A_2, %dma_start3A_900] : memref<50x4096x128xf32, #tpu.memory_space<hbm>> -> memref<1x128x128xf32, #tpu.memory_space<hbm>>
      %dma_start3A_902 = tpu.memref_squeeze %dma_start3A_901 : memref<1x128x128xf32, #tpu.memory_space<hbm>> -> memref<128x128xf32, #tpu.memory_space<hbm>>
      %dma_start3A_903 = arith.constant 0 : i32
      %dma_start3A_904 = tpu.memref_slice %arg4[%add3A_854, %mul3A_2, %dma_start3A_903] : memref<50x4096x128xf32, #tpu.memory_space<hbm>> -> memref<1x128x128xf32, #tpu.memory_space<hbm>>
      %dma_start3A_905 = tpu.memref_squeeze %dma_start3A_904 : memref<1x128x128xf32, #tpu.memory_space<hbm>> -> memref<128x128xf32, #tpu.memory_space<hbm>>
      %dma_start3A_906 = arith.constant 0 : i32
      %dma_start3A_907 = arith.constant 0 : i32
      %dma_start3A_908 = tpu.memref_slice %arg6[%dma_start3A_895, %dma_start3A_906, %dma_start3A_907] : memref<7x128x128xf32, #tpu.memory_space<vmem>> -> memref<1x128x128xf32, #tpu.memory_space<vmem>>
      %dma_start3A_909 = tpu.memref_squeeze %dma_start3A_908 : memref<1x128x128xf32, #tpu.memory_space<vmem>> -> memref<128x128xf32, #tpu.memory_space<vmem>>
      tpu.enqueue_dma source(%dma_start3A_909 : memref<128x128xf32, #tpu.memory_space<vmem>>) target(%dma_start3A_905 : memref<128x128xf32, #tpu.memory_space<hbm>>) target_semaphore(%arg14 : memref<!tpu.dma_semaphore, #tpu.memory_space<semaphore_mem>>)
      %add3A_910 = arith.constant 1 : i32
      %add3A_911 = arith.addi %add3A_852, %add3A_910 : i32
      %sub3A_912 = arith.constant 2 : i32
      %sub3A_913 = arith.subi %add3A_911, %sub3A_912 : i32
      %dma_wait3A_914 = arith.constant 6 : i32
      %dma_wait3A_915 = arith.constant 0 : i32
      %dma_wait3A_916 = arith.constant 0 : i32
      %dma_wait3A_917 = tpu.memref_slice %arg6[%dma_wait3A_914, %dma_wait3A_915, %dma_wait3A_916] : memref<7x128x128xf32, #tpu.memory_space<vmem>> -> memref<1x128x128xf32, #tpu.memory_space<vmem>>
      %dma_wait3A_918 = tpu.memref_squeeze %dma_wait3A_917 : memref<1x128x128xf32, #tpu.memory_space<vmem>> -> memref<128x128xf32, #tpu.memory_space<vmem>>
      %dma_wait3A_919 = arith.constant 0 : i32
      %dma_wait3A_920 = tpu.memref_slice %arg4[%sub3A_913, %mul3A_2, %dma_wait3A_919] : memref<50x4096x128xf32, #tpu.memory_space<hbm>> -> memref<1x128x128xf32, #tpu.memory_space<hbm>>
      %dma_wait3A_921 = tpu.memref_squeeze %dma_wait3A_920 : memref<1x128x128xf32, #tpu.memory_space<hbm>> -> memref<128x128xf32, #tpu.memory_space<hbm>>
      %dma_wait3A_922 = arith.constant 0 : i32
      %dma_wait3A_923 = tpu.memref_slice %arg4[%sub3A_913, %mul3A_2, %dma_wait3A_922] : memref<50x4096x128xf32, #tpu.memory_space<hbm>> -> memref<1x128x128xf32, #tpu.memory_space<hbm>>
      %dma_wait3A_924 = tpu.memref_squeeze %dma_wait3A_923 : memref<1x128x128xf32, #tpu.memory_space<hbm>> -> memref<128x128xf32, #tpu.memory_space<hbm>>
      %dma_wait3A_925 = arith.constant 0 : i32
      %dma_wait3A_926 = arith.constant 0 : i32
      %dma_wait3A_927 = tpu.memref_slice %arg6[%dma_wait3A_914, %dma_wait3A_925, %dma_wait3A_926] : memref<7x128x128xf32, #tpu.memory_space<vmem>> -> memref<1x128x128xf32, #tpu.memory_space<vmem>>
      %dma_wait3A_928 = tpu.memref_squeeze %dma_wait3A_927 : memref<1x128x128xf32, #tpu.memory_space<vmem>> -> memref<128x128xf32, #tpu.memory_space<vmem>>
      tpu.wait_dma2 semaphore(%arg20 : memref<!tpu.dma_semaphore, #tpu.memory_space<semaphore_mem>>) src(%dma_wait3A_928 : memref<128x128xf32, #tpu.memory_space<vmem>>) dst(%dma_wait3A_924 : memref<128x128xf32, #tpu.memory_space<hbm>>)
      %add3A_929 = arith.constant 5 : i32
      %add3A_930 = arith.addi %add3A_911, %add3A_929 : i32
      %dma_start3A_931 = arith.constant 6 : i32
      %dma_start3A_932 = arith.constant 0 : i32
      %dma_start3A_933 = arith.constant 0 : i32
      %dma_start3A_934 = tpu.memref_slice %arg6[%dma_start3A_931, %dma_start3A_932, %dma_start3A_933] : memref<7x128x128xf32, #tpu.memory_space<vmem>> -> memref<1x128x128xf32, #tpu.memory_space<vmem>>
      %dma_start3A_935 = tpu.memref_squeeze %dma_start3A_934 : memref<1x128x128xf32, #tpu.memory_space<vmem>> -> memref<128x128xf32, #tpu.memory_space<vmem>>
      %dma_start3A_936 = arith.constant 0 : i32
      %dma_start3A_937 = tpu.memref_slice %arg5[%add3A_930, %dma_start3A_936] : memref<50x128xi32, #tpu.memory_space<vmem>> -> memref<1x128xi32, #tpu.memory_space<vmem>>
      %dma_start3A_938 = tpu.memref_squeeze %dma_start3A_937 : memref<1x128xi32, #tpu.memory_space<vmem>> -> memref<128xi32, #tpu.memory_space<vmem>>
      %dma_start3A_939 = arith.constant 0 : i32
      %dma_start3A_940 = arith.constant 0 : i32
      %dma_start3A_941 = tpu.memref_slice %arg3[%dma_start3A_939, %dma_start3A_940] : memref<100000x128xf32, #tpu.memory_space<hbm>> -> memref<100000x128xf32, #tpu.memory_space<hbm>>
      tpu.enqueue_indirect_dma source(%dma_start3A_941 : memref<100000x128xf32, #tpu.memory_space<hbm>>) target(%dma_start3A_935 : memref<128x128xf32, #tpu.memory_space<vmem>>) offsets(%dma_start3A_938 : memref<128xi32, #tpu.memory_space<vmem>>) semaphore(%arg13 : memref<!tpu.dma_semaphore, #tpu.memory_space<semaphore_mem>>)
      %dma_wait3A_942 = arith.constant 1 : i32
      %dma_wait3A_943 = arith.constant 0 : i32
      %dma_wait3A_944 = arith.constant 0 : i32
      %dma_wait3A_945 = tpu.memref_slice %arg6[%dma_wait3A_942, %dma_wait3A_943, %dma_wait3A_944] : memref<7x128x128xf32, #tpu.memory_space<vmem>> -> memref<1x128x128xf32, #tpu.memory_space<vmem>>
      %dma_wait3A_946 = tpu.memref_squeeze %dma_wait3A_945 : memref<1x128x128xf32, #tpu.memory_space<vmem>> -> memref<128x128xf32, #tpu.memory_space<vmem>>
      %dma_wait3A_947 = arith.constant 0 : i32
      %dma_wait3A_948 = tpu.memref_slice %arg5[%add3A_911, %dma_wait3A_947] : memref<50x128xi32, #tpu.memory_space<vmem>> -> memref<1x128xi32, #tpu.memory_space<vmem>>
      %dma_wait3A_949 = tpu.memref_squeeze %dma_wait3A_948 : memref<1x128xi32, #tpu.memory_space<vmem>> -> memref<128xi32, #tpu.memory_space<vmem>>
      %dma_wait3A_950 = arith.constant 0 : i32
      %dma_wait3A_951 = arith.constant 0 : i32
      %dma_wait3A_952 = tpu.memref_slice %arg3[%dma_wait3A_950, %dma_wait3A_951] : memref<100000x128xf32, #tpu.memory_space<hbm>> -> memref<100000x128xf32, #tpu.memory_space<hbm>>
      tpu.wait_indirect_dma semaphore(%arg8 : memref<!tpu.dma_semaphore, #tpu.memory_space<semaphore_mem>>) src(%dma_wait3A_952 : memref<100000x128xf32, #tpu.memory_space<hbm>>) dst(%dma_wait3A_946 : memref<128x128xf32, #tpu.memory_space<vmem>>)
      %dma_start3A_953 = arith.constant 1 : i32
      %dma_start3A_954 = arith.constant 0 : i32
      %dma_start3A_955 = arith.constant 0 : i32
      %dma_start3A_956 = tpu.memref_slice %arg6[%dma_start3A_953, %dma_start3A_954, %dma_start3A_955] : memref<7x128x128xf32, #tpu.memory_space<vmem>> -> memref<1x128x128xf32, #tpu.memory_space<vmem>>
      %dma_start3A_957 = tpu.memref_squeeze %dma_start3A_956 : memref<1x128x128xf32, #tpu.memory_space<vmem>> -> memref<128x128xf32, #tpu.memory_space<vmem>>
      %dma_start3A_958 = arith.constant 0 : i32
      %dma_start3A_959 = tpu.memref_slice %arg4[%add3A_911, %mul3A_2, %dma_start3A_958] : memref<50x4096x128xf32, #tpu.memory_space<hbm>> -> memref<1x128x128xf32, #tpu.memory_space<hbm>>
      %dma_start3A_960 = tpu.memref_squeeze %dma_start3A_959 : memref<1x128x128xf32, #tpu.memory_space<hbm>> -> memref<128x128xf32, #tpu.memory_space<hbm>>
      %dma_start3A_961 = arith.constant 0 : i32
      %dma_start3A_962 = tpu.memref_slice %arg4[%add3A_911, %mul3A_2, %dma_start3A_961] : memref<50x4096x128xf32, #tpu.memory_space<hbm>> -> memref<1x128x128xf32, #tpu.memory_space<hbm>>
      %dma_start3A_963 = tpu.memref_squeeze %dma_start3A_962 : memref<1x128x128xf32, #tpu.memory_space<hbm>> -> memref<128x128xf32, #tpu.memory_space<hbm>>
      %dma_start3A_964 = arith.constant 0 : i32
      %dma_start3A_965 = arith.constant 0 : i32
      %dma_start3A_966 = tpu.memref_slice %arg6[%dma_start3A_953, %dma_start3A_964, %dma_start3A_965] : memref<7x128x128xf32, #tpu.memory_space<vmem>> -> memref<1x128x128xf32, #tpu.memory_space<vmem>>
      %dma_start3A_967 = tpu.memref_squeeze %dma_start3A_966 : memref<1x128x128xf32, #tpu.memory_space<vmem>> -> memref<128x128xf32, #tpu.memory_space<vmem>>
      tpu.enqueue_dma source(%dma_start3A_967 : memref<128x128xf32, #tpu.memory_space<vmem>>) target(%dma_start3A_963 : memref<128x128xf32, #tpu.memory_space<hbm>>) target_semaphore(%arg15 : memref<!tpu.dma_semaphore, #tpu.memory_space<semaphore_mem>>)
      %add3A_968 = arith.constant 2 : i32
      %add3A_969 = arith.addi %add3A_852, %add3A_968 : i32
      %sub3A_970 = arith.constant 2 : i32
      %sub3A_971 = arith.subi %add3A_969, %sub3A_970 : i32
      %dma_wait3A_972 = arith.constant 0 : i32
      %dma_wait3A_973 = arith.constant 0 : i32
      %dma_wait3A_974 = arith.constant 0 : i32
      %dma_wait3A_975 = tpu.memref_slice %arg6[%dma_wait3A_972, %dma_wait3A_973, %dma_wait3A_974] : memref<7x128x128xf32, #tpu.memory_space<vmem>> -> memref<1x128x128xf32, #tpu.memory_space<vmem>>
      %dma_wait3A_976 = tpu.memref_squeeze %dma_wait3A_975 : memref<1x128x128xf32, #tpu.memory_space<vmem>> -> memref<128x128xf32, #tpu.memory_space<vmem>>
      %dma_wait3A_977 = arith.constant 0 : i32
      %dma_wait3A_978 = tpu.memref_slice %arg4[%sub3A_971, %mul3A_2, %dma_wait3A_977] : memref<50x4096x128xf32, #tpu.memory_space<hbm>> -> memref<1x128x128xf32, #tpu.memory_space<hbm>>
      %dma_wait3A_979 = tpu.memref_squeeze %dma_wait3A_978 : memref<1x128x128xf32, #tpu.memory_space<hbm>> -> memref<128x128xf32, #tpu.memory_space<hbm>>
      %dma_wait3A_980 = arith.constant 0 : i32
      %dma_wait3A_981 = tpu.memref_slice %arg4[%sub3A_971, %mul3A_2, %dma_wait3A_980] : memref<50x4096x128xf32, #tpu.memory_space<hbm>> -> memref<1x128x128xf32, #tpu.memory_space<hbm>>
      %dma_wait3A_982 = tpu.memref_squeeze %dma_wait3A_981 : memref<1x128x128xf32, #tpu.memory_space<hbm>> -> memref<128x128xf32, #tpu.memory_space<hbm>>
      %dma_wait3A_983 = arith.constant 0 : i32
      %dma_wait3A_984 = arith.constant 0 : i32
      %dma_wait3A_985 = tpu.memref_slice %arg6[%dma_wait3A_972, %dma_wait3A_983, %dma_wait3A_984] : memref<7x128x128xf32, #tpu.memory_space<vmem>> -> memref<1x128x128xf32, #tpu.memory_space<vmem>>
      %dma_wait3A_986 = tpu.memref_squeeze %dma_wait3A_985 : memref<1x128x128xf32, #tpu.memory_space<vmem>> -> memref<128x128xf32, #tpu.memory_space<vmem>>
      tpu.wait_dma2 semaphore(%arg14 : memref<!tpu.dma_semaphore, #tpu.memory_space<semaphore_mem>>) src(%dma_wait3A_986 : memref<128x128xf32, #tpu.memory_space<vmem>>) dst(%dma_wait3A_982 : memref<128x128xf32, #tpu.memory_space<hbm>>)
      %add3A_987 = arith.constant 5 : i32
      %add3A_988 = arith.addi %add3A_969, %add3A_987 : i32
      %dma_start3A_989 = arith.constant 0 : i32
      %dma_start3A_990 = arith.constant 0 : i32
      %dma_start3A_991 = arith.constant 0 : i32
      %dma_start3A_992 = tpu.memref_slice %arg6[%dma_start3A_989, %dma_start3A_990, %dma_start3A_991] : memref<7x128x128xf32, #tpu.memory_space<vmem>> -> memref<1x128x128xf32, #tpu.memory_space<vmem>>
      %dma_start3A_993 = tpu.memref_squeeze %dma_start3A_992 : memref<1x128x128xf32, #tpu.memory_space<vmem>> -> memref<128x128xf32, #tpu.memory_space<vmem>>
      %dma_start3A_994 = arith.constant 0 : i32
      %dma_start3A_995 = tpu.memref_slice %arg5[%add3A_988, %dma_start3A_994] : memref<50x128xi32, #tpu.memory_space<vmem>> -> memref<1x128xi32, #tpu.memory_space<vmem>>
      %dma_start3A_996 = tpu.memref_squeeze %dma_start3A_995 : memref<1x128xi32, #tpu.memory_space<vmem>> -> memref<128xi32, #tpu.memory_space<vmem>>
      %dma_start3A_997 = arith.constant 0 : i32
      %dma_start3A_998 = arith.constant 0 : i32
      %dma_start3A_999 = tpu.memref_slice %arg3[%dma_start3A_997, %dma_start3A_998] : memref<100000x128xf32, #tpu.memory_space<hbm>> -> memref<100000x128xf32, #tpu.memory_space<hbm>>
      tpu.enqueue_indirect_dma source(%dma_start3A_999 : memref<100000x128xf32, #tpu.memory_space<hbm>>) target(%dma_start3A_993 : memref<128x128xf32, #tpu.memory_space<vmem>>) offsets(%dma_start3A_996 : memref<128xi32, #tpu.memory_space<vmem>>) semaphore(%arg7 : memref<!tpu.dma_semaphore, #tpu.memory_space<semaphore_mem>>)
      %dma_wait3A_1000 = arith.constant 2 : i32
      %dma_wait3A_1001 = arith.constant 0 : i32
      %dma_wait3A_1002 = arith.constant 0 : i32
      %dma_wait3A_1003 = tpu.memref_slice %arg6[%dma_wait3A_1000, %dma_wait3A_1001, %dma_wait3A_1002] : memref<7x128x128xf32, #tpu.memory_space<vmem>> -> memref<1x128x128xf32, #tpu.memory_space<vmem>>
      %dma_wait3A_1004 = tpu.memref_squeeze %dma_wait3A_1003 : memref<1x128x128xf32, #tpu.memory_space<vmem>> -> memref<128x128xf32, #tpu.memory_space<vmem>>
      %dma_wait3A_1005 = arith.constant 0 : i32
      %dma_wait3A_1006 = tpu.memref_slice %arg5[%add3A_969, %dma_wait3A_1005] : memref<50x128xi32, #tpu.memory_space<vmem>> -> memref<1x128xi32, #tpu.memory_space<vmem>>
      %dma_wait3A_1007 = tpu.memref_squeeze %dma_wait3A_1006 : memref<1x128xi32, #tpu.memory_space<vmem>> -> memref<128xi32, #tpu.memory_space<vmem>>
      %dma_wait3A_1008 = arith.constant 0 : i32
      %dma_wait3A_1009 = arith.constant 0 : i32
      %dma_wait3A_1010 = tpu.memref_slice %arg3[%dma_wait3A_1008, %dma_wait3A_1009] : memref<100000x128xf32, #tpu.memory_space<hbm>> -> memref<100000x128xf32, #tpu.memory_space<hbm>>
      tpu.wait_indirect_dma semaphore(%arg9 : memref<!tpu.dma_semaphore, #tpu.memory_space<semaphore_mem>>) src(%dma_wait3A_1010 : memref<100000x128xf32, #tpu.memory_space<hbm>>) dst(%dma_wait3A_1004 : memref<128x128xf32, #tpu.memory_space<vmem>>)
      %dma_start3A_1011 = arith.constant 2 : i32
      %dma_start3A_1012 = arith.constant 0 : i32
      %dma_start3A_1013 = arith.constant 0 : i32
      %dma_start3A_1014 = tpu.memref_slice %arg6[%dma_start3A_1011, %dma_start3A_1012, %dma_start3A_1013] : memref<7x128x128xf32, #tpu.memory_space<vmem>> -> memref<1x128x128xf32, #tpu.memory_space<vmem>>
      %dma_start3A_1015 = tpu.memref_squeeze %dma_start3A_1014 : memref<1x128x128xf32, #tpu.memory_space<vmem>> -> memref<128x128xf32, #tpu.memory_space<vmem>>
      %dma_start3A_1016 = arith.constant 0 : i32
      %dma_start3A_1017 = tpu.memref_slice %arg4[%add3A_969, %mul3A_2, %dma_start3A_1016] : memref<50x4096x128xf32, #tpu.memory_space<hbm>> -> memref<1x128x128xf32, #tpu.memory_space<hbm>>
      %dma_start3A_1018 = tpu.memref_squeeze %dma_start3A_1017 : memref<1x128x128xf32, #tpu.memory_space<hbm>> -> memref<128x128xf32, #tpu.memory_space<hbm>>
      %dma_start3A_1019 = arith.constant 0 : i32
      %dma_start3A_1020 = tpu.memref_slice %arg4[%add3A_969, %mul3A_2, %dma_start3A_1019] : memref<50x4096x128xf32, #tpu.memory_space<hbm>> -> memref<1x128x128xf32, #tpu.memory_space<hbm>>
      %dma_start3A_1021 = tpu.memref_squeeze %dma_start3A_1020 : memref<1x128x128xf32, #tpu.memory_space<hbm>> -> memref<128x128xf32, #tpu.memory_space<hbm>>
      %dma_start3A_1022 = arith.constant 0 : i32
      %dma_start3A_1023 = arith.constant 0 : i32
      %dma_start3A_1024 = tpu.memref_slice %arg6[%dma_start3A_1011, %dma_start3A_1022, %dma_start3A_1023] : memref<7x128x128xf32, #tpu.memory_space<vmem>> -> memref<1x128x128xf32, #tpu.memory_space<vmem>>
      %dma_start3A_1025 = tpu.memref_squeeze %dma_start3A_1024 : memref<1x128x128xf32, #tpu.memory_space<vmem>> -> memref<128x128xf32, #tpu.memory_space<vmem>>
      tpu.enqueue_dma source(%dma_start3A_1025 : memref<128x128xf32, #tpu.memory_space<vmem>>) target(%dma_start3A_1021 : memref<128x128xf32, #tpu.memory_space<hbm>>) target_semaphore(%arg16 : memref<!tpu.dma_semaphore, #tpu.memory_space<semaphore_mem>>)
      %add3A_1026 = arith.constant 3 : i32
      %add3A_1027 = arith.addi %add3A_852, %add3A_1026 : i32
      %sub3A_1028 = arith.constant 2 : i32
      %sub3A_1029 = arith.subi %add3A_1027, %sub3A_1028 : i32
      %dma_wait3A_1030 = arith.constant 1 : i32
      %dma_wait3A_1031 = arith.constant 0 : i32
      %dma_wait3A_1032 = arith.constant 0 : i32
      %dma_wait3A_1033 = tpu.memref_slice %arg6[%dma_wait3A_1030, %dma_wait3A_1031, %dma_wait3A_1032] : memref<7x128x128xf32, #tpu.memory_space<vmem>> -> memref<1x128x128xf32, #tpu.memory_space<vmem>>
      %dma_wait3A_1034 = tpu.memref_squeeze %dma_wait3A_1033 : memref<1x128x128xf32, #tpu.memory_space<vmem>> -> memref<128x128xf32, #tpu.memory_space<vmem>>
      %dma_wait3A_1035 = arith.constant 0 : i32
      %dma_wait3A_1036 = tpu.memref_slice %arg4[%sub3A_1029, %mul3A_2, %dma_wait3A_1035] : memref<50x4096x128xf32, #tpu.memory_space<hbm>> -> memref<1x128x128xf32, #tpu.memory_space<hbm>>
      %dma_wait3A_1037 = tpu.memref_squeeze %dma_wait3A_1036 : memref<1x128x128xf32, #tpu.memory_space<hbm>> -> memref<128x128xf32, #tpu.memory_space<hbm>>
      %dma_wait3A_1038 = arith.constant 0 : i32
      %dma_wait3A_1039 = tpu.memref_slice %arg4[%sub3A_1029, %mul3A_2, %dma_wait3A_1038] : memref<50x4096x128xf32, #tpu.memory_space<hbm>> -> memref<1x128x128xf32, #tpu.memory_space<hbm>>
      %dma_wait3A_1040 = tpu.memref_squeeze %dma_wait3A_1039 : memref<1x128x128xf32, #tpu.memory_space<hbm>> -> memref<128x128xf32, #tpu.memory_space<hbm>>
      %dma_wait3A_1041 = arith.constant 0 : i32
      %dma_wait3A_1042 = arith.constant 0 : i32
      %dma_wait3A_1043 = tpu.memref_slice %arg6[%dma_wait3A_1030, %dma_wait3A_1041, %dma_wait3A_1042] : memref<7x128x128xf32, #tpu.memory_space<vmem>> -> memref<1x128x128xf32, #tpu.memory_space<vmem>>
      %dma_wait3A_1044 = tpu.memref_squeeze %dma_wait3A_1043 : memref<1x128x128xf32, #tpu.memory_space<vmem>> -> memref<128x128xf32, #tpu.memory_space<vmem>>
      tpu.wait_dma2 semaphore(%arg15 : memref<!tpu.dma_semaphore, #tpu.memory_space<semaphore_mem>>) src(%dma_wait3A_1044 : memref<128x128xf32, #tpu.memory_space<vmem>>) dst(%dma_wait3A_1040 : memref<128x128xf32, #tpu.memory_space<hbm>>)
      %add3A_1045 = arith.constant 5 : i32
      %add3A_1046 = arith.addi %add3A_1027, %add3A_1045 : i32
      %dma_start3A_1047 = arith.constant 1 : i32
      %dma_start3A_1048 = arith.constant 0 : i32
      %dma_start3A_1049 = arith.constant 0 : i32
      %dma_start3A_1050 = tpu.memref_slice %arg6[%dma_start3A_1047, %dma_start3A_1048, %dma_start3A_1049] : memref<7x128x128xf32, #tpu.memory_space<vmem>> -> memref<1x128x128xf32, #tpu.memory_space<vmem>>
      %dma_start3A_1051 = tpu.memref_squeeze %dma_start3A_1050 : memref<1x128x128xf32, #tpu.memory_space<vmem>> -> memref<128x128xf32, #tpu.memory_space<vmem>>
      %dma_start3A_1052 = arith.constant 0 : i32
      %dma_start3A_1053 = tpu.memref_slice %arg5[%add3A_1046, %dma_start3A_1052] : memref<50x128xi32, #tpu.memory_space<vmem>> -> memref<1x128xi32, #tpu.memory_space<vmem>>
      %dma_start3A_1054 = tpu.memref_squeeze %dma_start3A_1053 : memref<1x128xi32, #tpu.memory_space<vmem>> -> memref<128xi32, #tpu.memory_space<vmem>>
      %dma_start3A_1055 = arith.constant 0 : i32
      %dma_start3A_1056 = arith.constant 0 : i32
      %dma_start3A_1057 = tpu.memref_slice %arg3[%dma_start3A_1055, %dma_start3A_1056] : memref<100000x128xf32, #tpu.memory_space<hbm>> -> memref<100000x128xf32, #tpu.memory_space<hbm>>
      tpu.enqueue_indirect_dma source(%dma_start3A_1057 : memref<100000x128xf32, #tpu.memory_space<hbm>>) target(%dma_start3A_1051 : memref<128x128xf32, #tpu.memory_space<vmem>>) offsets(%dma_start3A_1054 : memref<128xi32, #tpu.memory_space<vmem>>) semaphore(%arg8 : memref<!tpu.dma_semaphore, #tpu.memory_space<semaphore_mem>>)
      %dma_wait3A_1058 = arith.constant 3 : i32
      %dma_wait3A_1059 = arith.constant 0 : i32
      %dma_wait3A_1060 = arith.constant 0 : i32
      %dma_wait3A_1061 = tpu.memref_slice %arg6[%dma_wait3A_1058, %dma_wait3A_1059, %dma_wait3A_1060] : memref<7x128x128xf32, #tpu.memory_space<vmem>> -> memref<1x128x128xf32, #tpu.memory_space<vmem>>
      %dma_wait3A_1062 = tpu.memref_squeeze %dma_wait3A_1061 : memref<1x128x128xf32, #tpu.memory_space<vmem>> -> memref<128x128xf32, #tpu.memory_space<vmem>>
      %dma_wait3A_1063 = arith.constant 0 : i32
      %dma_wait3A_1064 = tpu.memref_slice %arg5[%add3A_1027, %dma_wait3A_1063] : memref<50x128xi32, #tpu.memory_space<vmem>> -> memref<1x128xi32, #tpu.memory_space<vmem>>
      %dma_wait3A_1065 = tpu.memref_squeeze %dma_wait3A_1064 : memref<1x128xi32, #tpu.memory_space<vmem>> -> memref<128xi32, #tpu.memory_space<vmem>>
      %dma_wait3A_1066 = arith.constant 0 : i32
      %dma_wait3A_1067 = arith.constant 0 : i32
      %dma_wait3A_1068 = tpu.memref_slice %arg3[%dma_wait3A_1066, %dma_wait3A_1067] : memref<100000x128xf32, #tpu.memory_space<hbm>> -> memref<100000x128xf32, #tpu.memory_space<hbm>>
      tpu.wait_indirect_dma semaphore(%arg10 : memref<!tpu.dma_semaphore, #tpu.memory_space<semaphore_mem>>) src(%dma_wait3A_1068 : memref<100000x128xf32, #tpu.memory_space<hbm>>) dst(%dma_wait3A_1062 : memref<128x128xf32, #tpu.memory_space<vmem>>)
      %dma_start3A_1069 = arith.constant 3 : i32
      %dma_start3A_1070 = arith.constant 0 : i32
      %dma_start3A_1071 = arith.constant 0 : i32
      %dma_start3A_1072 = tpu.memref_slice %arg6[%dma_start3A_1069, %dma_start3A_1070, %dma_start3A_1071] : memref<7x128x128xf32, #tpu.memory_space<vmem>> -> memref<1x128x128xf32, #tpu.memory_space<vmem>>
      %dma_start3A_1073 = tpu.memref_squeeze %dma_start3A_1072 : memref<1x128x128xf32, #tpu.memory_space<vmem>> -> memref<128x128xf32, #tpu.memory_space<vmem>>
      %dma_start3A_1074 = arith.constant 0 : i32
      %dma_start3A_1075 = tpu.memref_slice %arg4[%add3A_1027, %mul3A_2, %dma_start3A_1074] : memref<50x4096x128xf32, #tpu.memory_space<hbm>> -> memref<1x128x128xf32, #tpu.memory_space<hbm>>
      %dma_start3A_1076 = tpu.memref_squeeze %dma_start3A_1075 : memref<1x128x128xf32, #tpu.memory_space<hbm>> -> memref<128x128xf32, #tpu.memory_space<hbm>>
      %dma_start3A_1077 = arith.constant 0 : i32
      %dma_start3A_1078 = tpu.memref_slice %arg4[%add3A_1027, %mul3A_2, %dma_start3A_1077] : memref<50x4096x128xf32, #tpu.memory_space<hbm>> -> memref<1x128x128xf32, #tpu.memory_space<hbm>>
      %dma_start3A_1079 = tpu.memref_squeeze %dma_start3A_1078 : memref<1x128x128xf32, #tpu.memory_space<hbm>> -> memref<128x128xf32, #tpu.memory_space<hbm>>
      %dma_start3A_1080 = arith.constant 0 : i32
      %dma_start3A_1081 = arith.constant 0 : i32
      %dma_start3A_1082 = tpu.memref_slice %arg6[%dma_start3A_1069, %dma_start3A_1080, %dma_start3A_1081] : memref<7x128x128xf32, #tpu.memory_space<vmem>> -> memref<1x128x128xf32, #tpu.memory_space<vmem>>
      %dma_start3A_1083 = tpu.memref_squeeze %dma_start3A_1082 : memref<1x128x128xf32, #tpu.memory_space<vmem>> -> memref<128x128xf32, #tpu.memory_space<vmem>>
      tpu.enqueue_dma source(%dma_start3A_1083 : memref<128x128xf32, #tpu.memory_space<vmem>>) target(%dma_start3A_1079 : memref<128x128xf32, #tpu.memory_space<hbm>>) target_semaphore(%arg17 : memref<!tpu.dma_semaphore, #tpu.memory_space<semaphore_mem>>)
      %add3A_1084 = arith.constant 4 : i32
      %add3A_1085 = arith.addi %add3A_852, %add3A_1084 : i32
      %sub3A_1086 = arith.constant 2 : i32
      %sub3A_1087 = arith.subi %add3A_1085, %sub3A_1086 : i32
      %dma_wait3A_1088 = arith.constant 2 : i32
      %dma_wait3A_1089 = arith.constant 0 : i32
      %dma_wait3A_1090 = arith.constant 0 : i32
      %dma_wait3A_1091 = tpu.memref_slice %arg6[%dma_wait3A_1088, %dma_wait3A_1089, %dma_wait3A_1090] : memref<7x128x128xf32, #tpu.memory_space<vmem>> -> memref<1x128x128xf32, #tpu.memory_space<vmem>>
      %dma_wait3A_1092 = tpu.memref_squeeze %dma_wait3A_1091 : memref<1x128x128xf32, #tpu.memory_space<vmem>> -> memref<128x128xf32, #tpu.memory_space<vmem>>
      %dma_wait3A_1093 = arith.constant 0 : i32
      %dma_wait3A_1094 = tpu.memref_slice %arg4[%sub3A_1087, %mul3A_2, %dma_wait3A_1093] : memref<50x4096x128xf32, #tpu.memory_space<hbm>> -> memref<1x128x128xf32, #tpu.memory_space<hbm>>
      %dma_wait3A_1095 = tpu.memref_squeeze %dma_wait3A_1094 : memref<1x128x128xf32, #tpu.memory_space<hbm>> -> memref<128x128xf32, #tpu.memory_space<hbm>>
      %dma_wait3A_1096 = arith.constant 0 : i32
      %dma_wait3A_1097 = tpu.memref_slice %arg4[%sub3A_1087, %mul3A_2, %dma_wait3A_1096] : memref<50x4096x128xf32, #tpu.memory_space<hbm>> -> memref<1x128x128xf32, #tpu.memory_space<hbm>>
      %dma_wait3A_1098 = tpu.memref_squeeze %dma_wait3A_1097 : memref<1x128x128xf32, #tpu.memory_space<hbm>> -> memref<128x128xf32, #tpu.memory_space<hbm>>
      %dma_wait3A_1099 = arith.constant 0 : i32
      %dma_wait3A_1100 = arith.constant 0 : i32
      %dma_wait3A_1101 = tpu.memref_slice %arg6[%dma_wait3A_1088, %dma_wait3A_1099, %dma_wait3A_1100] : memref<7x128x128xf32, #tpu.memory_space<vmem>> -> memref<1x128x128xf32, #tpu.memory_space<vmem>>
      %dma_wait3A_1102 = tpu.memref_squeeze %dma_wait3A_1101 : memref<1x128x128xf32, #tpu.memory_space<vmem>> -> memref<128x128xf32, #tpu.memory_space<vmem>>
      tpu.wait_dma2 semaphore(%arg16 : memref<!tpu.dma_semaphore, #tpu.memory_space<semaphore_mem>>) src(%dma_wait3A_1102 : memref<128x128xf32, #tpu.memory_space<vmem>>) dst(%dma_wait3A_1098 : memref<128x128xf32, #tpu.memory_space<hbm>>)
      %add3A_1103 = arith.constant 5 : i32
      %add3A_1104 = arith.addi %add3A_1085, %add3A_1103 : i32
      %dma_start3A_1105 = arith.constant 2 : i32
      %dma_start3A_1106 = arith.constant 0 : i32
      %dma_start3A_1107 = arith.constant 0 : i32
      %dma_start3A_1108 = tpu.memref_slice %arg6[%dma_start3A_1105, %dma_start3A_1106, %dma_start3A_1107] : memref<7x128x128xf32, #tpu.memory_space<vmem>> -> memref<1x128x128xf32, #tpu.memory_space<vmem>>
      %dma_start3A_1109 = tpu.memref_squeeze %dma_start3A_1108 : memref<1x128x128xf32, #tpu.memory_space<vmem>> -> memref<128x128xf32, #tpu.memory_space<vmem>>
      %dma_start3A_1110 = arith.constant 0 : i32
      %dma_start3A_1111 = tpu.memref_slice %arg5[%add3A_1104, %dma_start3A_1110] : memref<50x128xi32, #tpu.memory_space<vmem>> -> memref<1x128xi32, #tpu.memory_space<vmem>>
      %dma_start3A_1112 = tpu.memref_squeeze %dma_start3A_1111 : memref<1x128xi32, #tpu.memory_space<vmem>> -> memref<128xi32, #tpu.memory_space<vmem>>
      %dma_start3A_1113 = arith.constant 0 : i32
      %dma_start3A_1114 = arith.constant 0 : i32
      %dma_start3A_1115 = tpu.memref_slice %arg3[%dma_start3A_1113, %dma_start3A_1114] : memref<100000x128xf32, #tpu.memory_space<hbm>> -> memref<100000x128xf32, #tpu.memory_space<hbm>>
      tpu.enqueue_indirect_dma source(%dma_start3A_1115 : memref<100000x128xf32, #tpu.memory_space<hbm>>) target(%dma_start3A_1109 : memref<128x128xf32, #tpu.memory_space<vmem>>) offsets(%dma_start3A_1112 : memref<128xi32, #tpu.memory_space<vmem>>) semaphore(%arg9 : memref<!tpu.dma_semaphore, #tpu.memory_space<semaphore_mem>>)
      %dma_wait3A_1116 = arith.constant 4 : i32
      %dma_wait3A_1117 = arith.constant 0 : i32
      %dma_wait3A_1118 = arith.constant 0 : i32
      %dma_wait3A_1119 = tpu.memref_slice %arg6[%dma_wait3A_1116, %dma_wait3A_1117, %dma_wait3A_1118] : memref<7x128x128xf32, #tpu.memory_space<vmem>> -> memref<1x128x128xf32, #tpu.memory_space<vmem>>
      %dma_wait3A_1120 = tpu.memref_squeeze %dma_wait3A_1119 : memref<1x128x128xf32, #tpu.memory_space<vmem>> -> memref<128x128xf32, #tpu.memory_space<vmem>>
      %dma_wait3A_1121 = arith.constant 0 : i32
      %dma_wait3A_1122 = tpu.memref_slice %arg5[%add3A_1085, %dma_wait3A_1121] : memref<50x128xi32, #tpu.memory_space<vmem>> -> memref<1x128xi32, #tpu.memory_space<vmem>>
      %dma_wait3A_1123 = tpu.memref_squeeze %dma_wait3A_1122 : memref<1x128xi32, #tpu.memory_space<vmem>> -> memref<128xi32, #tpu.memory_space<vmem>>
      %dma_wait3A_1124 = arith.constant 0 : i32
      %dma_wait3A_1125 = arith.constant 0 : i32
      %dma_wait3A_1126 = tpu.memref_slice %arg3[%dma_wait3A_1124, %dma_wait3A_1125] : memref<100000x128xf32, #tpu.memory_space<hbm>> -> memref<100000x128xf32, #tpu.memory_space<hbm>>
      tpu.wait_indirect_dma semaphore(%arg11 : memref<!tpu.dma_semaphore, #tpu.memory_space<semaphore_mem>>) src(%dma_wait3A_1126 : memref<100000x128xf32, #tpu.memory_space<hbm>>) dst(%dma_wait3A_1120 : memref<128x128xf32, #tpu.memory_space<vmem>>)
      %dma_start3A_1127 = arith.constant 4 : i32
      %dma_start3A_1128 = arith.constant 0 : i32
      %dma_start3A_1129 = arith.constant 0 : i32
      %dma_start3A_1130 = tpu.memref_slice %arg6[%dma_start3A_1127, %dma_start3A_1128, %dma_start3A_1129] : memref<7x128x128xf32, #tpu.memory_space<vmem>> -> memref<1x128x128xf32, #tpu.memory_space<vmem>>
      %dma_start3A_1131 = tpu.memref_squeeze %dma_start3A_1130 : memref<1x128x128xf32, #tpu.memory_space<vmem>> -> memref<128x128xf32, #tpu.memory_space<vmem>>
      %dma_start3A_1132 = arith.constant 0 : i32
      %dma_start3A_1133 = tpu.memref_slice %arg4[%add3A_1085, %mul3A_2, %dma_start3A_1132] : memref<50x4096x128xf32, #tpu.memory_space<hbm>> -> memref<1x128x128xf32, #tpu.memory_space<hbm>>
      %dma_start3A_1134 = tpu.memref_squeeze %dma_start3A_1133 : memref<1x128x128xf32, #tpu.memory_space<hbm>> -> memref<128x128xf32, #tpu.memory_space<hbm>>
      %dma_start3A_1135 = arith.constant 0 : i32
      %dma_start3A_1136 = tpu.memref_slice %arg4[%add3A_1085, %mul3A_2, %dma_start3A_1135] : memref<50x4096x128xf32, #tpu.memory_space<hbm>> -> memref<1x128x128xf32, #tpu.memory_space<hbm>>
      %dma_start3A_1137 = tpu.memref_squeeze %dma_start3A_1136 : memref<1x128x128xf32, #tpu.memory_space<hbm>> -> memref<128x128xf32, #tpu.memory_space<hbm>>
      %dma_start3A_1138 = arith.constant 0 : i32
      %dma_start3A_1139 = arith.constant 0 : i32
      %dma_start3A_1140 = tpu.memref_slice %arg6[%dma_start3A_1127, %dma_start3A_1138, %dma_start3A_1139] : memref<7x128x128xf32, #tpu.memory_space<vmem>> -> memref<1x128x128xf32, #tpu.memory_space<vmem>>
      %dma_start3A_1141 = tpu.memref_squeeze %dma_start3A_1140 : memref<1x128x128xf32, #tpu.memory_space<vmem>> -> memref<128x128xf32, #tpu.memory_space<vmem>>
      tpu.enqueue_dma source(%dma_start3A_1141 : memref<128x128xf32, #tpu.memory_space<vmem>>) target(%dma_start3A_1137 : memref<128x128xf32, #tpu.memory_space<hbm>>) target_semaphore(%arg18 : memref<!tpu.dma_semaphore, #tpu.memory_space<semaphore_mem>>)
      %add3A_1142 = arith.constant 5 : i32
      %add3A_1143 = arith.addi %add3A_852, %add3A_1142 : i32
      %sub3A_1144 = arith.constant 2 : i32
      %sub3A_1145 = arith.subi %add3A_1143, %sub3A_1144 : i32
      %dma_wait3A_1146 = arith.constant 3 : i32
      %dma_wait3A_1147 = arith.constant 0 : i32
      %dma_wait3A_1148 = arith.constant 0 : i32
      %dma_wait3A_1149 = tpu.memref_slice %arg6[%dma_wait3A_1146, %dma_wait3A_1147, %dma_wait3A_1148] : memref<7x128x128xf32, #tpu.memory_space<vmem>> -> memref<1x128x128xf32, #tpu.memory_space<vmem>>
      %dma_wait3A_1150 = tpu.memref_squeeze %dma_wait3A_1149 : memref<1x128x128xf32, #tpu.memory_space<vmem>> -> memref<128x128xf32, #tpu.memory_space<vmem>>
      %dma_wait3A_1151 = arith.constant 0 : i32
      %dma_wait3A_1152 = tpu.memref_slice %arg4[%sub3A_1145, %mul3A_2, %dma_wait3A_1151] : memref<50x4096x128xf32, #tpu.memory_space<hbm>> -> memref<1x128x128xf32, #tpu.memory_space<hbm>>
      %dma_wait3A_1153 = tpu.memref_squeeze %dma_wait3A_1152 : memref<1x128x128xf32, #tpu.memory_space<hbm>> -> memref<128x128xf32, #tpu.memory_space<hbm>>
      %dma_wait3A_1154 = arith.constant 0 : i32
      %dma_wait3A_1155 = tpu.memref_slice %arg4[%sub3A_1145, %mul3A_2, %dma_wait3A_1154] : memref<50x4096x128xf32, #tpu.memory_space<hbm>> -> memref<1x128x128xf32, #tpu.memory_space<hbm>>
      %dma_wait3A_1156 = tpu.memref_squeeze %dma_wait3A_1155 : memref<1x128x128xf32, #tpu.memory_space<hbm>> -> memref<128x128xf32, #tpu.memory_space<hbm>>
      %dma_wait3A_1157 = arith.constant 0 : i32
      %dma_wait3A_1158 = arith.constant 0 : i32
      %dma_wait3A_1159 = tpu.memref_slice %arg6[%dma_wait3A_1146, %dma_wait3A_1157, %dma_wait3A_1158] : memref<7x128x128xf32, #tpu.memory_space<vmem>> -> memref<1x128x128xf32, #tpu.memory_space<vmem>>
      %dma_wait3A_1160 = tpu.memref_squeeze %dma_wait3A_1159 : memref<1x128x128xf32, #tpu.memory_space<vmem>> -> memref<128x128xf32, #tpu.memory_space<vmem>>
      tpu.wait_dma2 semaphore(%arg17 : memref<!tpu.dma_semaphore, #tpu.memory_space<semaphore_mem>>) src(%dma_wait3A_1160 : memref<128x128xf32, #tpu.memory_space<vmem>>) dst(%dma_wait3A_1156 : memref<128x128xf32, #tpu.memory_space<hbm>>)
      %add3A_1161 = arith.constant 5 : i32
      %add3A_1162 = arith.addi %add3A_1143, %add3A_1161 : i32
      %dma_start3A_1163 = arith.constant 3 : i32
      %dma_start3A_1164 = arith.constant 0 : i32
      %dma_start3A_1165 = arith.constant 0 : i32
      %dma_start3A_1166 = tpu.memref_slice %arg6[%dma_start3A_1163, %dma_start3A_1164, %dma_start3A_1165] : memref<7x128x128xf32, #tpu.memory_space<vmem>> -> memref<1x128x128xf32, #tpu.memory_space<vmem>>
      %dma_start3A_1167 = tpu.memref_squeeze %dma_start3A_1166 : memref<1x128x128xf32, #tpu.memory_space<vmem>> -> memref<128x128xf32, #tpu.memory_space<vmem>>
      %dma_start3A_1168 = arith.constant 0 : i32
      %dma_start3A_1169 = tpu.memref_slice %arg5[%add3A_1162, %dma_start3A_1168] : memref<50x128xi32, #tpu.memory_space<vmem>> -> memref<1x128xi32, #tpu.memory_space<vmem>>
      %dma_start3A_1170 = tpu.memref_squeeze %dma_start3A_1169 : memref<1x128xi32, #tpu.memory_space<vmem>> -> memref<128xi32, #tpu.memory_space<vmem>>
      %dma_start3A_1171 = arith.constant 0 : i32
      %dma_start3A_1172 = arith.constant 0 : i32
      %dma_start3A_1173 = tpu.memref_slice %arg3[%dma_start3A_1171, %dma_start3A_1172] : memref<100000x128xf32, #tpu.memory_space<hbm>> -> memref<100000x128xf32, #tpu.memory_space<hbm>>
      tpu.enqueue_indirect_dma source(%dma_start3A_1173 : memref<100000x128xf32, #tpu.memory_space<hbm>>) target(%dma_start3A_1167 : memref<128x128xf32, #tpu.memory_space<vmem>>) offsets(%dma_start3A_1170 : memref<128xi32, #tpu.memory_space<vmem>>) semaphore(%arg10 : memref<!tpu.dma_semaphore, #tpu.memory_space<semaphore_mem>>)
      %dma_wait3A_1174 = arith.constant 5 : i32
      %dma_wait3A_1175 = arith.constant 0 : i32
      %dma_wait3A_1176 = arith.constant 0 : i32
      %dma_wait3A_1177 = tpu.memref_slice %arg6[%dma_wait3A_1174, %dma_wait3A_1175, %dma_wait3A_1176] : memref<7x128x128xf32, #tpu.memory_space<vmem>> -> memref<1x128x128xf32, #tpu.memory_space<vmem>>
      %dma_wait3A_1178 = tpu.memref_squeeze %dma_wait3A_1177 : memref<1x128x128xf32, #tpu.memory_space<vmem>> -> memref<128x128xf32, #tpu.memory_space<vmem>>
      %dma_wait3A_1179 = arith.constant 0 : i32
      %dma_wait3A_1180 = tpu.memref_slice %arg5[%add3A_1143, %dma_wait3A_1179] : memref<50x128xi32, #tpu.memory_space<vmem>> -> memref<1x128xi32, #tpu.memory_space<vmem>>
      %dma_wait3A_1181 = tpu.memref_squeeze %dma_wait3A_1180 : memref<1x128xi32, #tpu.memory_space<vmem>> -> memref<128xi32, #tpu.memory_space<vmem>>
      %dma_wait3A_1182 = arith.constant 0 : i32
      %dma_wait3A_1183 = arith.constant 0 : i32
      %dma_wait3A_1184 = tpu.memref_slice %arg3[%dma_wait3A_1182, %dma_wait3A_1183] : memref<100000x128xf32, #tpu.memory_space<hbm>> -> memref<100000x128xf32, #tpu.memory_space<hbm>>
      tpu.wait_indirect_dma semaphore(%arg12 : memref<!tpu.dma_semaphore, #tpu.memory_space<semaphore_mem>>) src(%dma_wait3A_1184 : memref<100000x128xf32, #tpu.memory_space<hbm>>) dst(%dma_wait3A_1178 : memref<128x128xf32, #tpu.memory_space<vmem>>)
      %dma_start3A_1185 = arith.constant 5 : i32
      %dma_start3A_1186 = arith.constant 0 : i32
      %dma_start3A_1187 = arith.constant 0 : i32
      %dma_start3A_1188 = tpu.memref_slice %arg6[%dma_start3A_1185, %dma_start3A_1186, %dma_start3A_1187] : memref<7x128x128xf32, #tpu.memory_space<vmem>> -> memref<1x128x128xf32, #tpu.memory_space<vmem>>
      %dma_start3A_1189 = tpu.memref_squeeze %dma_start3A_1188 : memref<1x128x128xf32, #tpu.memory_space<vmem>> -> memref<128x128xf32, #tpu.memory_space<vmem>>
      %dma_start3A_1190 = arith.constant 0 : i32
      %dma_start3A_1191 = tpu.memref_slice %arg4[%add3A_1143, %mul3A_2, %dma_start3A_1190] : memref<50x4096x128xf32, #tpu.memory_space<hbm>> -> memref<1x128x128xf32, #tpu.memory_space<hbm>>
      %dma_start3A_1192 = tpu.memref_squeeze %dma_start3A_1191 : memref<1x128x128xf32, #tpu.memory_space<hbm>> -> memref<128x128xf32, #tpu.memory_space<hbm>>
      %dma_start3A_1193 = arith.constant 0 : i32
      %dma_start3A_1194 = tpu.memref_slice %arg4[%add3A_1143, %mul3A_2, %dma_start3A_1193] : memref<50x4096x128xf32, #tpu.memory_space<hbm>> -> memref<1x128x128xf32, #tpu.memory_space<hbm>>
      %dma_start3A_1195 = tpu.memref_squeeze %dma_start3A_1194 : memref<1x128x128xf32, #tpu.memory_space<hbm>> -> memref<128x128xf32, #tpu.memory_space<hbm>>
      %dma_start3A_1196 = arith.constant 0 : i32
      %dma_start3A_1197 = arith.constant 0 : i32
      %dma_start3A_1198 = tpu.memref_slice %arg6[%dma_start3A_1185, %dma_start3A_1196, %dma_start3A_1197] : memref<7x128x128xf32, #tpu.memory_space<vmem>> -> memref<1x128x128xf32, #tpu.memory_space<vmem>>
      %dma_start3A_1199 = tpu.memref_squeeze %dma_start3A_1198 : memref<1x128x128xf32, #tpu.memory_space<vmem>> -> memref<128x128xf32, #tpu.memory_space<vmem>>
      tpu.enqueue_dma source(%dma_start3A_1199 : memref<128x128xf32, #tpu.memory_space<vmem>>) target(%dma_start3A_1195 : memref<128x128xf32, #tpu.memory_space<hbm>>) target_semaphore(%arg19 : memref<!tpu.dma_semaphore, #tpu.memory_space<semaphore_mem>>)
      %add3A_1200 = arith.constant 6 : i32
      %add3A_1201 = arith.addi %add3A_852, %add3A_1200 : i32
      %sub3A_1202 = arith.constant 2 : i32
      %sub3A_1203 = arith.subi %add3A_1201, %sub3A_1202 : i32
      %dma_wait3A_1204 = arith.constant 4 : i32
      %dma_wait3A_1205 = arith.constant 0 : i32
      %dma_wait3A_1206 = arith.constant 0 : i32
      %dma_wait3A_1207 = tpu.memref_slice %arg6[%dma_wait3A_1204, %dma_wait3A_1205, %dma_wait3A_1206] : memref<7x128x128xf32, #tpu.memory_space<vmem>> -> memref<1x128x128xf32, #tpu.memory_space<vmem>>
      %dma_wait3A_1208 = tpu.memref_squeeze %dma_wait3A_1207 : memref<1x128x128xf32, #tpu.memory_space<vmem>> -> memref<128x128xf32, #tpu.memory_space<vmem>>
      %dma_wait3A_1209 = arith.constant 0 : i32
      %dma_wait3A_1210 = tpu.memref_slice %arg4[%sub3A_1203, %mul3A_2, %dma_wait3A_1209] : memref<50x4096x128xf32, #tpu.memory_space<hbm>> -> memref<1x128x128xf32, #tpu.memory_space<hbm>>
      %dma_wait3A_1211 = tpu.memref_squeeze %dma_wait3A_1210 : memref<1x128x128xf32, #tpu.memory_space<hbm>> -> memref<128x128xf32, #tpu.memory_space<hbm>>
      %dma_wait3A_1212 = arith.constant 0 : i32
      %dma_wait3A_1213 = tpu.memref_slice %arg4[%sub3A_1203, %mul3A_2, %dma_wait3A_1212] : memref<50x4096x128xf32, #tpu.memory_space<hbm>> -> memref<1x128x128xf32, #tpu.memory_space<hbm>>
      %dma_wait3A_1214 = tpu.memref_squeeze %dma_wait3A_1213 : memref<1x128x128xf32, #tpu.memory_space<hbm>> -> memref<128x128xf32, #tpu.memory_space<hbm>>
      %dma_wait3A_1215 = arith.constant 0 : i32
      %dma_wait3A_1216 = arith.constant 0 : i32
      %dma_wait3A_1217 = tpu.memref_slice %arg6[%dma_wait3A_1204, %dma_wait3A_1215, %dma_wait3A_1216] : memref<7x128x128xf32, #tpu.memory_space<vmem>> -> memref<1x128x128xf32, #tpu.memory_space<vmem>>
      %dma_wait3A_1218 = tpu.memref_squeeze %dma_wait3A_1217 : memref<1x128x128xf32, #tpu.memory_space<vmem>> -> memref<128x128xf32, #tpu.memory_space<vmem>>
      tpu.wait_dma2 semaphore(%arg18 : memref<!tpu.dma_semaphore, #tpu.memory_space<semaphore_mem>>) src(%dma_wait3A_1218 : memref<128x128xf32, #tpu.memory_space<vmem>>) dst(%dma_wait3A_1214 : memref<128x128xf32, #tpu.memory_space<hbm>>)
      %add3A_1219 = arith.constant 5 : i32
      %add3A_1220 = arith.addi %add3A_1201, %add3A_1219 : i32
      %dma_start3A_1221 = arith.constant 4 : i32
      %dma_start3A_1222 = arith.constant 0 : i32
      %dma_start3A_1223 = arith.constant 0 : i32
      %dma_start3A_1224 = tpu.memref_slice %arg6[%dma_start3A_1221, %dma_start3A_1222, %dma_start3A_1223] : memref<7x128x128xf32, #tpu.memory_space<vmem>> -> memref<1x128x128xf32, #tpu.memory_space<vmem>>
      %dma_start3A_1225 = tpu.memref_squeeze %dma_start3A_1224 : memref<1x128x128xf32, #tpu.memory_space<vmem>> -> memref<128x128xf32, #tpu.memory_space<vmem>>
      %dma_start3A_1226 = arith.constant 0 : i32
      %dma_start3A_1227 = tpu.memref_slice %arg5[%add3A_1220, %dma_start3A_1226] : memref<50x128xi32, #tpu.memory_space<vmem>> -> memref<1x128xi32, #tpu.memory_space<vmem>>
      %dma_start3A_1228 = tpu.memref_squeeze %dma_start3A_1227 : memref<1x128xi32, #tpu.memory_space<vmem>> -> memref<128xi32, #tpu.memory_space<vmem>>
      %dma_start3A_1229 = arith.constant 0 : i32
      %dma_start3A_1230 = arith.constant 0 : i32
      %dma_start3A_1231 = tpu.memref_slice %arg3[%dma_start3A_1229, %dma_start3A_1230] : memref<100000x128xf32, #tpu.memory_space<hbm>> -> memref<100000x128xf32, #tpu.memory_space<hbm>>
      tpu.enqueue_indirect_dma source(%dma_start3A_1231 : memref<100000x128xf32, #tpu.memory_space<hbm>>) target(%dma_start3A_1225 : memref<128x128xf32, #tpu.memory_space<vmem>>) offsets(%dma_start3A_1228 : memref<128xi32, #tpu.memory_space<vmem>>) semaphore(%arg11 : memref<!tpu.dma_semaphore, #tpu.memory_space<semaphore_mem>>)
      %dma_wait3A_1232 = arith.constant 6 : i32
      %dma_wait3A_1233 = arith.constant 0 : i32
      %dma_wait3A_1234 = arith.constant 0 : i32
      %dma_wait3A_1235 = tpu.memref_slice %arg6[%dma_wait3A_1232, %dma_wait3A_1233, %dma_wait3A_1234] : memref<7x128x128xf32, #tpu.memory_space<vmem>> -> memref<1x128x128xf32, #tpu.memory_space<vmem>>
      %dma_wait3A_1236 = tpu.memref_squeeze %dma_wait3A_1235 : memref<1x128x128xf32, #tpu.memory_space<vmem>> -> memref<128x128xf32, #tpu.memory_space<vmem>>
      %dma_wait3A_1237 = arith.constant 0 : i32
      %dma_wait3A_1238 = tpu.memref_slice %arg5[%add3A_1201, %dma_wait3A_1237] : memref<50x128xi32, #tpu.memory_space<vmem>> -> memref<1x128xi32, #tpu.memory_space<vmem>>
      %dma_wait3A_1239 = tpu.memref_squeeze %dma_wait3A_1238 : memref<1x128xi32, #tpu.memory_space<vmem>> -> memref<128xi32, #tpu.memory_space<vmem>>
      %dma_wait3A_1240 = arith.constant 0 : i32
      %dma_wait3A_1241 = arith.constant 0 : i32
      %dma_wait3A_1242 = tpu.memref_slice %arg3[%dma_wait3A_1240, %dma_wait3A_1241] : memref<100000x128xf32, #tpu.memory_space<hbm>> -> memref<100000x128xf32, #tpu.memory_space<hbm>>
      tpu.wait_indirect_dma semaphore(%arg13 : memref<!tpu.dma_semaphore, #tpu.memory_space<semaphore_mem>>) src(%dma_wait3A_1242 : memref<100000x128xf32, #tpu.memory_space<hbm>>) dst(%dma_wait3A_1236 : memref<128x128xf32, #tpu.memory_space<vmem>>)
      %dma_start3A_1243 = arith.constant 6 : i32
      %dma_start3A_1244 = arith.constant 0 : i32
      %dma_start3A_1245 = arith.constant 0 : i32
      %dma_start3A_1246 = tpu.memref_slice %arg6[%dma_start3A_1243, %dma_start3A_1244, %dma_start3A_1245] : memref<7x128x128xf32, #tpu.memory_space<vmem>> -> memref<1x128x128xf32, #tpu.memory_space<vmem>>
      %dma_start3A_1247 = tpu.memref_squeeze %dma_start3A_1246 : memref<1x128x128xf32, #tpu.memory_space<vmem>> -> memref<128x128xf32, #tpu.memory_space<vmem>>
      %dma_start3A_1248 = arith.constant 0 : i32
      %dma_start3A_1249 = tpu.memref_slice %arg4[%add3A_1201, %mul3A_2, %dma_start3A_1248] : memref<50x4096x128xf32, #tpu.memory_space<hbm>> -> memref<1x128x128xf32, #tpu.memory_space<hbm>>
      %dma_start3A_1250 = tpu.memref_squeeze %dma_start3A_1249 : memref<1x128x128xf32, #tpu.memory_space<hbm>> -> memref<128x128xf32, #tpu.memory_space<hbm>>
      %dma_start3A_1251 = arith.constant 0 : i32
      %dma_start3A_1252 = tpu.memref_slice %arg4[%add3A_1201, %mul3A_2, %dma_start3A_1251] : memref<50x4096x128xf32, #tpu.memory_space<hbm>> -> memref<1x128x128xf32, #tpu.memory_space<hbm>>
      %dma_start3A_1253 = tpu.memref_squeeze %dma_start3A_1252 : memref<1x128x128xf32, #tpu.memory_space<hbm>> -> memref<128x128xf32, #tpu.memory_space<hbm>>
      %dma_start3A_1254 = arith.constant 0 : i32
      %dma_start3A_1255 = arith.constant 0 : i32
      %dma_start3A_1256 = tpu.memref_slice %arg6[%dma_start3A_1243, %dma_start3A_1254, %dma_start3A_1255] : memref<7x128x128xf32, #tpu.memory_space<vmem>> -> memref<1x128x128xf32, #tpu.memory_space<vmem>>
      %dma_start3A_1257 = tpu.memref_squeeze %dma_start3A_1256 : memref<1x128x128xf32, #tpu.memory_space<vmem>> -> memref<128x128xf32, #tpu.memory_space<vmem>>
      tpu.enqueue_dma source(%dma_start3A_1257 : memref<128x128xf32, #tpu.memory_space<vmem>>) target(%dma_start3A_1253 : memref<128x128xf32, #tpu.memory_space<hbm>>) target_semaphore(%arg20 : memref<!tpu.dma_semaphore, #tpu.memory_space<semaphore_mem>>)
      %scan3A_1258 = arith.constant 0 : i32
      scf.yield %scan3A_1258 : i32
    }
    %scan3A_426 = arith.constant 5 : i32
    %dma_wait3A_427 = arith.constant 5 : i32
    %dma_wait3A_428 = arith.constant 40 : i32
    %dma_wait3A_429 = arith.constant 0 : i32
    %dma_wait3A_430 = arith.constant 0 : i32
    %dma_wait3A_431 = tpu.memref_slice %arg6[%dma_wait3A_427, %dma_wait3A_429, %dma_wait3A_430] : memref<7x128x128xf32, #tpu.memory_space<vmem>> -> memref<1x128x128xf32, #tpu.memory_space<vmem>>
    %dma_wait3A_432 = tpu.memref_squeeze %dma_wait3A_431 : memref<1x128x128xf32, #tpu.memory_space<vmem>> -> memref<128x128xf32, #tpu.memory_space<vmem>>
    %dma_wait3A_433 = arith.constant 0 : i32
    %dma_wait3A_434 = tpu.memref_slice %arg4[%dma_wait3A_428, %mul3A_2, %dma_wait3A_433] : memref<50x4096x128xf32, #tpu.memory_space<hbm>> -> memref<1x128x128xf32, #tpu.memory_space<hbm>>
    %dma_wait3A_435 = tpu.memref_squeeze %dma_wait3A_434 : memref<1x128x128xf32, #tpu.memory_space<hbm>> -> memref<128x128xf32, #tpu.memory_space<hbm>>
    %dma_wait3A_436 = arith.constant 0 : i32
    %dma_wait3A_437 = tpu.memref_slice %arg4[%dma_wait3A_428, %mul3A_2, %dma_wait3A_436] : memref<50x4096x128xf32, #tpu.memory_space<hbm>> -> memref<1x128x128xf32, #tpu.memory_space<hbm>>
    %dma_wait3A_438 = tpu.memref_squeeze %dma_wait3A_437 : memref<1x128x128xf32, #tpu.memory_space<hbm>> -> memref<128x128xf32, #tpu.memory_space<hbm>>
    %dma_wait3A_439 = arith.constant 0 : i32
    %dma_wait3A_440 = arith.constant 0 : i32
    %dma_wait3A_441 = tpu.memref_slice %arg6[%dma_wait3A_427, %dma_wait3A_439, %dma_wait3A_440] : memref<7x128x128xf32, #tpu.memory_space<vmem>> -> memref<1x128x128xf32, #tpu.memory_space<vmem>>
    %dma_wait3A_442 = tpu.memref_squeeze %dma_wait3A_441 : memref<1x128x128xf32, #tpu.memory_space<vmem>> -> memref<128x128xf32, #tpu.memory_space<vmem>>
    tpu.wait_dma2 semaphore(%arg19 : memref<!tpu.dma_semaphore, #tpu.memory_space<semaphore_mem>>) src(%dma_wait3A_442 : memref<128x128xf32, #tpu.memory_space<vmem>>) dst(%dma_wait3A_438 : memref<128x128xf32, #tpu.memory_space<hbm>>)
    %dma_start3A_443 = arith.constant 47 : i32
    %dma_start3A_444 = arith.constant 5 : i32
    %dma_start3A_445 = arith.constant 0 : i32
    %dma_start3A_446 = arith.constant 0 : i32
    %dma_start3A_447 = tpu.memref_slice %arg6[%dma_start3A_444, %dma_start3A_445, %dma_start3A_446] : memref<7x128x128xf32, #tpu.memory_space<vmem>> -> memref<1x128x128xf32, #tpu.memory_space<vmem>>
    %dma_start3A_448 = tpu.memref_squeeze %dma_start3A_447 : memref<1x128x128xf32, #tpu.memory_space<vmem>> -> memref<128x128xf32, #tpu.memory_space<vmem>>
    %dma_start3A_449 = arith.constant 0 : i32
    %dma_start3A_450 = tpu.memref_slice %arg5[%dma_start3A_443, %dma_start3A_449] : memref<50x128xi32, #tpu.memory_space<vmem>> -> memref<1x128xi32, #tpu.memory_space<vmem>>
    %dma_start3A_451 = tpu.memref_squeeze %dma_start3A_450 : memref<1x128xi32, #tpu.memory_space<vmem>> -> memref<128xi32, #tpu.memory_space<vmem>>
    %dma_start3A_452 = arith.constant 0 : i32
    %dma_start3A_453 = arith.constant 0 : i32
    %dma_start3A_454 = tpu.memref_slice %arg3[%dma_start3A_452, %dma_start3A_453] : memref<100000x128xf32, #tpu.memory_space<hbm>> -> memref<100000x128xf32, #tpu.memory_space<hbm>>
    tpu.enqueue_indirect_dma source(%dma_start3A_454 : memref<100000x128xf32, #tpu.memory_space<hbm>>) target(%dma_start3A_448 : memref<128x128xf32, #tpu.memory_space<vmem>>) offsets(%dma_start3A_451 : memref<128xi32, #tpu.memory_space<vmem>>) semaphore(%arg12 : memref<!tpu.dma_semaphore, #tpu.memory_space<semaphore_mem>>)
    %dma_wait3A_455 = arith.constant 42 : i32
    %dma_wait3A_456 = arith.constant 0 : i32
    %dma_wait3A_457 = arith.constant 0 : i32
    %dma_wait3A_458 = arith.constant 0 : i32
    %dma_wait3A_459 = tpu.memref_slice %arg6[%dma_wait3A_456, %dma_wait3A_457, %dma_wait3A_458] : memref<7x128x128xf32, #tpu.memory_space<vmem>> -> memref<1x128x128xf32, #tpu.memory_space<vmem>>
    %dma_wait3A_460 = tpu.memref_squeeze %dma_wait3A_459 : memref<1x128x128xf32, #tpu.memory_space<vmem>> -> memref<128x128xf32, #tpu.memory_space<vmem>>
    %dma_wait3A_461 = arith.constant 0 : i32
    %dma_wait3A_462 = tpu.memref_slice %arg5[%dma_wait3A_455, %dma_wait3A_461] : memref<50x128xi32, #tpu.memory_space<vmem>> -> memref<1x128xi32, #tpu.memory_space<vmem>>
    %dma_wait3A_463 = tpu.memref_squeeze %dma_wait3A_462 : memref<1x128xi32, #tpu.memory_space<vmem>> -> memref<128xi32, #tpu.memory_space<vmem>>
    %dma_wait3A_464 = arith.constant 0 : i32
    %dma_wait3A_465 = arith.constant 0 : i32
    %dma_wait3A_466 = tpu.memref_slice %arg3[%dma_wait3A_464, %dma_wait3A_465] : memref<100000x128xf32, #tpu.memory_space<hbm>> -> memref<100000x128xf32, #tpu.memory_space<hbm>>
    tpu.wait_indirect_dma semaphore(%arg7 : memref<!tpu.dma_semaphore, #tpu.memory_space<semaphore_mem>>) src(%dma_wait3A_466 : memref<100000x128xf32, #tpu.memory_space<hbm>>) dst(%dma_wait3A_460 : memref<128x128xf32, #tpu.memory_space<vmem>>)
    %dma_start3A_467 = arith.constant 0 : i32
    %dma_start3A_468 = arith.constant 42 : i32
    %dma_start3A_469 = arith.constant 0 : i32
    %dma_start3A_470 = arith.constant 0 : i32
    %dma_start3A_471 = tpu.memref_slice %arg6[%dma_start3A_467, %dma_start3A_469, %dma_start3A_470] : memref<7x128x128xf32, #tpu.memory_space<vmem>> -> memref<1x128x128xf32, #tpu.memory_space<vmem>>
    %dma_start3A_472 = tpu.memref_squeeze %dma_start3A_471 : memref<1x128x128xf32, #tpu.memory_space<vmem>> -> memref<128x128xf32, #tpu.memory_space<vmem>>
    %dma_start3A_473 = arith.constant 0 : i32
    %dma_start3A_474 = tpu.memref_slice %arg4[%dma_start3A_468, %mul3A_2, %dma_start3A_473] : memref<50x4096x128xf32, #tpu.memory_space<hbm>> -> memref<1x128x128xf32, #tpu.memory_space<hbm>>
    %dma_start3A_475 = tpu.memref_squeeze %dma_start3A_474 : memref<1x128x128xf32, #tpu.memory_space<hbm>> -> memref<128x128xf32, #tpu.memory_space<hbm>>
    %dma_start3A_476 = arith.constant 0 : i32
    %dma_start3A_477 = tpu.memref_slice %arg4[%dma_start3A_468, %mul3A_2, %dma_start3A_476] : memref<50x4096x128xf32, #tpu.memory_space<hbm>> -> memref<1x128x128xf32, #tpu.memory_space<hbm>>
    %dma_start3A_478 = tpu.memref_squeeze %dma_start3A_477 : memref<1x128x128xf32, #tpu.memory_space<hbm>> -> memref<128x128xf32, #tpu.memory_space<hbm>>
    %dma_start3A_479 = arith.constant 0 : i32
    %dma_start3A_480 = arith.constant 0 : i32
    %dma_start3A_481 = tpu.memref_slice %arg6[%dma_start3A_467, %dma_start3A_479, %dma_start3A_480] : memref<7x128x128xf32, #tpu.memory_space<vmem>> -> memref<1x128x128xf32, #tpu.memory_space<vmem>>
    %dma_start3A_482 = tpu.memref_squeeze %dma_start3A_481 : memref<1x128x128xf32, #tpu.memory_space<vmem>> -> memref<128x128xf32, #tpu.memory_space<vmem>>
    tpu.enqueue_dma source(%dma_start3A_482 : memref<128x128xf32, #tpu.memory_space<vmem>>) target(%dma_start3A_478 : memref<128x128xf32, #tpu.memory_space<hbm>>) target_semaphore(%arg14 : memref<!tpu.dma_semaphore, #tpu.memory_space<semaphore_mem>>)
    %dma_wait3A_483 = arith.constant 6 : i32
    %dma_wait3A_484 = arith.constant 41 : i32
    %dma_wait3A_485 = arith.constant 0 : i32
    %dma_wait3A_486 = arith.constant 0 : i32
    %dma_wait3A_487 = tpu.memref_slice %arg6[%dma_wait3A_483, %dma_wait3A_485, %dma_wait3A_486] : memref<7x128x128xf32, #tpu.memory_space<vmem>> -> memref<1x128x128xf32, #tpu.memory_space<vmem>>
    %dma_wait3A_488 = tpu.memref_squeeze %dma_wait3A_487 : memref<1x128x128xf32, #tpu.memory_space<vmem>> -> memref<128x128xf32, #tpu.memory_space<vmem>>
    %dma_wait3A_489 = arith.constant 0 : i32
    %dma_wait3A_490 = tpu.memref_slice %arg4[%dma_wait3A_484, %mul3A_2, %dma_wait3A_489] : memref<50x4096x128xf32, #tpu.memory_space<hbm>> -> memref<1x128x128xf32, #tpu.memory_space<hbm>>
    %dma_wait3A_491 = tpu.memref_squeeze %dma_wait3A_490 : memref<1x128x128xf32, #tpu.memory_space<hbm>> -> memref<128x128xf32, #tpu.memory_space<hbm>>
    %dma_wait3A_492 = arith.constant 0 : i32
    %dma_wait3A_493 = tpu.memref_slice %arg4[%dma_wait3A_484, %mul3A_2, %dma_wait3A_492] : memref<50x4096x128xf32, #tpu.memory_space<hbm>> -> memref<1x128x128xf32, #tpu.memory_space<hbm>>
    %dma_wait3A_494 = tpu.memref_squeeze %dma_wait3A_493 : memref<1x128x128xf32, #tpu.memory_space<hbm>> -> memref<128x128xf32, #tpu.memory_space<hbm>>
    %dma_wait3A_495 = arith.constant 0 : i32
    %dma_wait3A_496 = arith.constant 0 : i32
    %dma_wait3A_497 = tpu.memref_slice %arg6[%dma_wait3A_483, %dma_wait3A_495, %dma_wait3A_496] : memref<7x128x128xf32, #tpu.memory_space<vmem>> -> memref<1x128x128xf32, #tpu.memory_space<vmem>>
    %dma_wait3A_498 = tpu.memref_squeeze %dma_wait3A_497 : memref<1x128x128xf32, #tpu.memory_space<vmem>> -> memref<128x128xf32, #tpu.memory_space<vmem>>
    tpu.wait_dma2 semaphore(%arg20 : memref<!tpu.dma_semaphore, #tpu.memory_space<semaphore_mem>>) src(%dma_wait3A_498 : memref<128x128xf32, #tpu.memory_space<vmem>>) dst(%dma_wait3A_494 : memref<128x128xf32, #tpu.memory_space<hbm>>)
    %dma_start3A_499 = arith.constant 48 : i32
    %dma_start3A_500 = arith.constant 6 : i32
    %dma_start3A_501 = arith.constant 0 : i32
    %dma_start3A_502 = arith.constant 0 : i32
    %dma_start3A_503 = tpu.memref_slice %arg6[%dma_start3A_500, %dma_start3A_501, %dma_start3A_502] : memref<7x128x128xf32, #tpu.memory_space<vmem>> -> memref<1x128x128xf32, #tpu.memory_space<vmem>>
    %dma_start3A_504 = tpu.memref_squeeze %dma_start3A_503 : memref<1x128x128xf32, #tpu.memory_space<vmem>> -> memref<128x128xf32, #tpu.memory_space<vmem>>
    %dma_start3A_505 = arith.constant 0 : i32
    %dma_start3A_506 = tpu.memref_slice %arg5[%dma_start3A_499, %dma_start3A_505] : memref<50x128xi32, #tpu.memory_space<vmem>> -> memref<1x128xi32, #tpu.memory_space<vmem>>
    %dma_start3A_507 = tpu.memref_squeeze %dma_start3A_506 : memref<1x128xi32, #tpu.memory_space<vmem>> -> memref<128xi32, #tpu.memory_space<vmem>>
    %dma_start3A_508 = arith.constant 0 : i32
    %dma_start3A_509 = arith.constant 0 : i32
    %dma_start3A_510 = tpu.memref_slice %arg3[%dma_start3A_508, %dma_start3A_509] : memref<100000x128xf32, #tpu.memory_space<hbm>> -> memref<100000x128xf32, #tpu.memory_space<hbm>>
    tpu.enqueue_indirect_dma source(%dma_start3A_510 : memref<100000x128xf32, #tpu.memory_space<hbm>>) target(%dma_start3A_504 : memref<128x128xf32, #tpu.memory_space<vmem>>) offsets(%dma_start3A_507 : memref<128xi32, #tpu.memory_space<vmem>>) semaphore(%arg13 : memref<!tpu.dma_semaphore, #tpu.memory_space<semaphore_mem>>)
    %dma_wait3A_511 = arith.constant 43 : i32
    %dma_wait3A_512 = arith.constant 1 : i32
    %dma_wait3A_513 = arith.constant 0 : i32
    %dma_wait3A_514 = arith.constant 0 : i32
    %dma_wait3A_515 = tpu.memref_slice %arg6[%dma_wait3A_512, %dma_wait3A_513, %dma_wait3A_514] : memref<7x128x128xf32, #tpu.memory_space<vmem>> -> memref<1x128x128xf32, #tpu.memory_space<vmem>>
    %dma_wait3A_516 = tpu.memref_squeeze %dma_wait3A_515 : memref<1x128x128xf32, #tpu.memory_space<vmem>> -> memref<128x128xf32, #tpu.memory_space<vmem>>
    %dma_wait3A_517 = arith.constant 0 : i32
    %dma_wait3A_518 = tpu.memref_slice %arg5[%dma_wait3A_511, %dma_wait3A_517] : memref<50x128xi32, #tpu.memory_space<vmem>> -> memref<1x128xi32, #tpu.memory_space<vmem>>
    %dma_wait3A_519 = tpu.memref_squeeze %dma_wait3A_518 : memref<1x128xi32, #tpu.memory_space<vmem>> -> memref<128xi32, #tpu.memory_space<vmem>>
    %dma_wait3A_520 = arith.constant 0 : i32
    %dma_wait3A_521 = arith.constant 0 : i32
    %dma_wait3A_522 = tpu.memref_slice %arg3[%dma_wait3A_520, %dma_wait3A_521] : memref<100000x128xf32, #tpu.memory_space<hbm>> -> memref<100000x128xf32, #tpu.memory_space<hbm>>
    tpu.wait_indirect_dma semaphore(%arg8 : memref<!tpu.dma_semaphore, #tpu.memory_space<semaphore_mem>>) src(%dma_wait3A_522 : memref<100000x128xf32, #tpu.memory_space<hbm>>) dst(%dma_wait3A_516 : memref<128x128xf32, #tpu.memory_space<vmem>>)
    %dma_start3A_523 = arith.constant 1 : i32
    %dma_start3A_524 = arith.constant 43 : i32
    %dma_start3A_525 = arith.constant 0 : i32
    %dma_start3A_526 = arith.constant 0 : i32
    %dma_start3A_527 = tpu.memref_slice %arg6[%dma_start3A_523, %dma_start3A_525, %dma_start3A_526] : memref<7x128x128xf32, #tpu.memory_space<vmem>> -> memref<1x128x128xf32, #tpu.memory_space<vmem>>
    %dma_start3A_528 = tpu.memref_squeeze %dma_start3A_527 : memref<1x128x128xf32, #tpu.memory_space<vmem>> -> memref<128x128xf32, #tpu.memory_space<vmem>>
    %dma_start3A_529 = arith.constant 0 : i32
    %dma_start3A_530 = tpu.memref_slice %arg4[%dma_start3A_524, %mul3A_2, %dma_start3A_529] : memref<50x4096x128xf32, #tpu.memory_space<hbm>> -> memref<1x128x128xf32, #tpu.memory_space<hbm>>
    %dma_start3A_531 = tpu.memref_squeeze %dma_start3A_530 : memref<1x128x128xf32, #tpu.memory_space<hbm>> -> memref<128x128xf32, #tpu.memory_space<hbm>>
    %dma_start3A_532 = arith.constant 0 : i32
    %dma_start3A_533 = tpu.memref_slice %arg4[%dma_start3A_524, %mul3A_2, %dma_start3A_532] : memref<50x4096x128xf32, #tpu.memory_space<hbm>> -> memref<1x128x128xf32, #tpu.memory_space<hbm>>
    %dma_start3A_534 = tpu.memref_squeeze %dma_start3A_533 : memref<1x128x128xf32, #tpu.memory_space<hbm>> -> memref<128x128xf32, #tpu.memory_space<hbm>>
    %dma_start3A_535 = arith.constant 0 : i32
    %dma_start3A_536 = arith.constant 0 : i32
    %dma_start3A_537 = tpu.memref_slice %arg6[%dma_start3A_523, %dma_start3A_535, %dma_start3A_536] : memref<7x128x128xf32, #tpu.memory_space<vmem>> -> memref<1x128x128xf32, #tpu.memory_space<vmem>>
    %dma_start3A_538 = tpu.memref_squeeze %dma_start3A_537 : memref<1x128x128xf32, #tpu.memory_space<vmem>> -> memref<128x128xf32, #tpu.memory_space<vmem>>
    tpu.enqueue_dma source(%dma_start3A_538 : memref<128x128xf32, #tpu.memory_space<vmem>>) target(%dma_start3A_534 : memref<128x128xf32, #tpu.memory_space<hbm>>) target_semaphore(%arg15 : memref<!tpu.dma_semaphore, #tpu.memory_space<semaphore_mem>>)
    %dma_wait3A_539 = arith.constant 0 : i32
    %dma_wait3A_540 = arith.constant 42 : i32
    %dma_wait3A_541 = arith.constant 0 : i32
    %dma_wait3A_542 = arith.constant 0 : i32
    %dma_wait3A_543 = tpu.memref_slice %arg6[%dma_wait3A_539, %dma_wait3A_541, %dma_wait3A_542] : memref<7x128x128xf32, #tpu.memory_space<vmem>> -> memref<1x128x128xf32, #tpu.memory_space<vmem>>
    %dma_wait3A_544 = tpu.memref_squeeze %dma_wait3A_543 : memref<1x128x128xf32, #tpu.memory_space<vmem>> -> memref<128x128xf32, #tpu.memory_space<vmem>>
    %dma_wait3A_545 = arith.constant 0 : i32
    %dma_wait3A_546 = tpu.memref_slice %arg4[%dma_wait3A_540, %mul3A_2, %dma_wait3A_545] : memref<50x4096x128xf32, #tpu.memory_space<hbm>> -> memref<1x128x128xf32, #tpu.memory_space<hbm>>
    %dma_wait3A_547 = tpu.memref_squeeze %dma_wait3A_546 : memref<1x128x128xf32, #tpu.memory_space<hbm>> -> memref<128x128xf32, #tpu.memory_space<hbm>>
    %dma_wait3A_548 = arith.constant 0 : i32
    %dma_wait3A_549 = tpu.memref_slice %arg4[%dma_wait3A_540, %mul3A_2, %dma_wait3A_548] : memref<50x4096x128xf32, #tpu.memory_space<hbm>> -> memref<1x128x128xf32, #tpu.memory_space<hbm>>
    %dma_wait3A_550 = tpu.memref_squeeze %dma_wait3A_549 : memref<1x128x128xf32, #tpu.memory_space<hbm>> -> memref<128x128xf32, #tpu.memory_space<hbm>>
    %dma_wait3A_551 = arith.constant 0 : i32
    %dma_wait3A_552 = arith.constant 0 : i32
    %dma_wait3A_553 = tpu.memref_slice %arg6[%dma_wait3A_539, %dma_wait3A_551, %dma_wait3A_552] : memref<7x128x128xf32, #tpu.memory_space<vmem>> -> memref<1x128x128xf32, #tpu.memory_space<vmem>>
    %dma_wait3A_554 = tpu.memref_squeeze %dma_wait3A_553 : memref<1x128x128xf32, #tpu.memory_space<vmem>> -> memref<128x128xf32, #tpu.memory_space<vmem>>
    tpu.wait_dma2 semaphore(%arg14 : memref<!tpu.dma_semaphore, #tpu.memory_space<semaphore_mem>>) src(%dma_wait3A_554 : memref<128x128xf32, #tpu.memory_space<vmem>>) dst(%dma_wait3A_550 : memref<128x128xf32, #tpu.memory_space<hbm>>)
    %dma_start3A_555 = arith.constant 49 : i32
    %dma_start3A_556 = arith.constant 0 : i32
    %dma_start3A_557 = arith.constant 0 : i32
    %dma_start3A_558 = arith.constant 0 : i32
    %dma_start3A_559 = tpu.memref_slice %arg6[%dma_start3A_556, %dma_start3A_557, %dma_start3A_558] : memref<7x128x128xf32, #tpu.memory_space<vmem>> -> memref<1x128x128xf32, #tpu.memory_space<vmem>>
    %dma_start3A_560 = tpu.memref_squeeze %dma_start3A_559 : memref<1x128x128xf32, #tpu.memory_space<vmem>> -> memref<128x128xf32, #tpu.memory_space<vmem>>
    %dma_start3A_561 = arith.constant 0 : i32
    %dma_start3A_562 = tpu.memref_slice %arg5[%dma_start3A_555, %dma_start3A_561] : memref<50x128xi32, #tpu.memory_space<vmem>> -> memref<1x128xi32, #tpu.memory_space<vmem>>
    %dma_start3A_563 = tpu.memref_squeeze %dma_start3A_562 : memref<1x128xi32, #tpu.memory_space<vmem>> -> memref<128xi32, #tpu.memory_space<vmem>>
    %dma_start3A_564 = arith.constant 0 : i32
    %dma_start3A_565 = arith.constant 0 : i32
    %dma_start3A_566 = tpu.memref_slice %arg3[%dma_start3A_564, %dma_start3A_565] : memref<100000x128xf32, #tpu.memory_space<hbm>> -> memref<100000x128xf32, #tpu.memory_space<hbm>>
    tpu.enqueue_indirect_dma source(%dma_start3A_566 : memref<100000x128xf32, #tpu.memory_space<hbm>>) target(%dma_start3A_560 : memref<128x128xf32, #tpu.memory_space<vmem>>) offsets(%dma_start3A_563 : memref<128xi32, #tpu.memory_space<vmem>>) semaphore(%arg7 : memref<!tpu.dma_semaphore, #tpu.memory_space<semaphore_mem>>)
    %dma_wait3A_567 = arith.constant 44 : i32
    %dma_wait3A_568 = arith.constant 2 : i32
    %dma_wait3A_569 = arith.constant 0 : i32
    %dma_wait3A_570 = arith.constant 0 : i32
    %dma_wait3A_571 = tpu.memref_slice %arg6[%dma_wait3A_568, %dma_wait3A_569, %dma_wait3A_570] : memref<7x128x128xf32, #tpu.memory_space<vmem>> -> memref<1x128x128xf32, #tpu.memory_space<vmem>>
    %dma_wait3A_572 = tpu.memref_squeeze %dma_wait3A_571 : memref<1x128x128xf32, #tpu.memory_space<vmem>> -> memref<128x128xf32, #tpu.memory_space<vmem>>
    %dma_wait3A_573 = arith.constant 0 : i32
    %dma_wait3A_574 = tpu.memref_slice %arg5[%dma_wait3A_567, %dma_wait3A_573] : memref<50x128xi32, #tpu.memory_space<vmem>> -> memref<1x128xi32, #tpu.memory_space<vmem>>
    %dma_wait3A_575 = tpu.memref_squeeze %dma_wait3A_574 : memref<1x128xi32, #tpu.memory_space<vmem>> -> memref<128xi32, #tpu.memory_space<vmem>>
    %dma_wait3A_576 = arith.constant 0 : i32
    %dma_wait3A_577 = arith.constant 0 : i32
    %dma_wait3A_578 = tpu.memref_slice %arg3[%dma_wait3A_576, %dma_wait3A_577] : memref<100000x128xf32, #tpu.memory_space<hbm>> -> memref<100000x128xf32, #tpu.memory_space<hbm>>
    tpu.wait_indirect_dma semaphore(%arg9 : memref<!tpu.dma_semaphore, #tpu.memory_space<semaphore_mem>>) src(%dma_wait3A_578 : memref<100000x128xf32, #tpu.memory_space<hbm>>) dst(%dma_wait3A_572 : memref<128x128xf32, #tpu.memory_space<vmem>>)
    %dma_start3A_579 = arith.constant 2 : i32
    %dma_start3A_580 = arith.constant 44 : i32
    %dma_start3A_581 = arith.constant 0 : i32
    %dma_start3A_582 = arith.constant 0 : i32
    %dma_start3A_583 = tpu.memref_slice %arg6[%dma_start3A_579, %dma_start3A_581, %dma_start3A_582] : memref<7x128x128xf32, #tpu.memory_space<vmem>> -> memref<1x128x128xf32, #tpu.memory_space<vmem>>
    %dma_start3A_584 = tpu.memref_squeeze %dma_start3A_583 : memref<1x128x128xf32, #tpu.memory_space<vmem>> -> memref<128x128xf32, #tpu.memory_space<vmem>>
    %dma_start3A_585 = arith.constant 0 : i32
    %dma_start3A_586 = tpu.memref_slice %arg4[%dma_start3A_580, %mul3A_2, %dma_start3A_585] : memref<50x4096x128xf32, #tpu.memory_space<hbm>> -> memref<1x128x128xf32, #tpu.memory_space<hbm>>
    %dma_start3A_587 = tpu.memref_squeeze %dma_start3A_586 : memref<1x128x128xf32, #tpu.memory_space<hbm>> -> memref<128x128xf32, #tpu.memory_space<hbm>>
    %dma_start3A_588 = arith.constant 0 : i32
    %dma_start3A_589 = tpu.memref_slice %arg4[%dma_start3A_580, %mul3A_2, %dma_start3A_588] : memref<50x4096x128xf32, #tpu.memory_space<hbm>> -> memref<1x128x128xf32, #tpu.memory_space<hbm>>
    %dma_start3A_590 = tpu.memref_squeeze %dma_start3A_589 : memref<1x128x128xf32, #tpu.memory_space<hbm>> -> memref<128x128xf32, #tpu.memory_space<hbm>>
    %dma_start3A_591 = arith.constant 0 : i32
    %dma_start3A_592 = arith.constant 0 : i32
    %dma_start3A_593 = tpu.memref_slice %arg6[%dma_start3A_579, %dma_start3A_591, %dma_start3A_592] : memref<7x128x128xf32, #tpu.memory_space<vmem>> -> memref<1x128x128xf32, #tpu.memory_space<vmem>>
    %dma_start3A_594 = tpu.memref_squeeze %dma_start3A_593 : memref<1x128x128xf32, #tpu.memory_space<vmem>> -> memref<128x128xf32, #tpu.memory_space<vmem>>
    tpu.enqueue_dma source(%dma_start3A_594 : memref<128x128xf32, #tpu.memory_space<vmem>>) target(%dma_start3A_590 : memref<128x128xf32, #tpu.memory_space<hbm>>) target_semaphore(%arg16 : memref<!tpu.dma_semaphore, #tpu.memory_space<semaphore_mem>>)
    %dma_wait3A_595 = arith.constant 1 : i32
    %dma_wait3A_596 = arith.constant 43 : i32
    %dma_wait3A_597 = arith.constant 0 : i32
    %dma_wait3A_598 = arith.constant 0 : i32
    %dma_wait3A_599 = tpu.memref_slice %arg6[%dma_wait3A_595, %dma_wait3A_597, %dma_wait3A_598] : memref<7x128x128xf32, #tpu.memory_space<vmem>> -> memref<1x128x128xf32, #tpu.memory_space<vmem>>
    %dma_wait3A_600 = tpu.memref_squeeze %dma_wait3A_599 : memref<1x128x128xf32, #tpu.memory_space<vmem>> -> memref<128x128xf32, #tpu.memory_space<vmem>>
    %dma_wait3A_601 = arith.constant 0 : i32
    %dma_wait3A_602 = tpu.memref_slice %arg4[%dma_wait3A_596, %mul3A_2, %dma_wait3A_601] : memref<50x4096x128xf32, #tpu.memory_space<hbm>> -> memref<1x128x128xf32, #tpu.memory_space<hbm>>
    %dma_wait3A_603 = tpu.memref_squeeze %dma_wait3A_602 : memref<1x128x128xf32, #tpu.memory_space<hbm>> -> memref<128x128xf32, #tpu.memory_space<hbm>>
    %dma_wait3A_604 = arith.constant 0 : i32
    %dma_wait3A_605 = tpu.memref_slice %arg4[%dma_wait3A_596, %mul3A_2, %dma_wait3A_604] : memref<50x4096x128xf32, #tpu.memory_space<hbm>> -> memref<1x128x128xf32, #tpu.memory_space<hbm>>
    %dma_wait3A_606 = tpu.memref_squeeze %dma_wait3A_605 : memref<1x128x128xf32, #tpu.memory_space<hbm>> -> memref<128x128xf32, #tpu.memory_space<hbm>>
    %dma_wait3A_607 = arith.constant 0 : i32
    %dma_wait3A_608 = arith.constant 0 : i32
    %dma_wait3A_609 = tpu.memref_slice %arg6[%dma_wait3A_595, %dma_wait3A_607, %dma_wait3A_608] : memref<7x128x128xf32, #tpu.memory_space<vmem>> -> memref<1x128x128xf32, #tpu.memory_space<vmem>>
    %dma_wait3A_610 = tpu.memref_squeeze %dma_wait3A_609 : memref<1x128x128xf32, #tpu.memory_space<vmem>> -> memref<128x128xf32, #tpu.memory_space<vmem>>
    tpu.wait_dma2 semaphore(%arg15 : memref<!tpu.dma_semaphore, #tpu.memory_space<semaphore_mem>>) src(%dma_wait3A_610 : memref<128x128xf32, #tpu.memory_space<vmem>>) dst(%dma_wait3A_606 : memref<128x128xf32, #tpu.memory_space<hbm>>)
    %dma_wait3A_611 = arith.constant 45 : i32
    %dma_wait3A_612 = arith.constant 3 : i32
    %dma_wait3A_613 = arith.constant 0 : i32
    %dma_wait3A_614 = arith.constant 0 : i32
    %dma_wait3A_615 = tpu.memref_slice %arg6[%dma_wait3A_612, %dma_wait3A_613, %dma_wait3A_614] : memref<7x128x128xf32, #tpu.memory_space<vmem>> -> memref<1x128x128xf32, #tpu.memory_space<vmem>>
    %dma_wait3A_616 = tpu.memref_squeeze %dma_wait3A_615 : memref<1x128x128xf32, #tpu.memory_space<vmem>> -> memref<128x128xf32, #tpu.memory_space<vmem>>
    %dma_wait3A_617 = arith.constant 0 : i32
    %dma_wait3A_618 = tpu.memref_slice %arg5[%dma_wait3A_611, %dma_wait3A_617] : memref<50x128xi32, #tpu.memory_space<vmem>> -> memref<1x128xi32, #tpu.memory_space<vmem>>
    %dma_wait3A_619 = tpu.memref_squeeze %dma_wait3A_618 : memref<1x128xi32, #tpu.memory_space<vmem>> -> memref<128xi32, #tpu.memory_space<vmem>>
    %dma_wait3A_620 = arith.constant 0 : i32
    %dma_wait3A_621 = arith.constant 0 : i32
    %dma_wait3A_622 = tpu.memref_slice %arg3[%dma_wait3A_620, %dma_wait3A_621] : memref<100000x128xf32, #tpu.memory_space<hbm>> -> memref<100000x128xf32, #tpu.memory_space<hbm>>
    tpu.wait_indirect_dma semaphore(%arg10 : memref<!tpu.dma_semaphore, #tpu.memory_space<semaphore_mem>>) src(%dma_wait3A_622 : memref<100000x128xf32, #tpu.memory_space<hbm>>) dst(%dma_wait3A_616 : memref<128x128xf32, #tpu.memory_space<vmem>>)
    %dma_start3A_623 = arith.constant 3 : i32
    %dma_start3A_624 = arith.constant 45 : i32
    %dma_start3A_625 = arith.constant 0 : i32
    %dma_start3A_626 = arith.constant 0 : i32
    %dma_start3A_627 = tpu.memref_slice %arg6[%dma_start3A_623, %dma_start3A_625, %dma_start3A_626] : memref<7x128x128xf32, #tpu.memory_space<vmem>> -> memref<1x128x128xf32, #tpu.memory_space<vmem>>
    %dma_start3A_628 = tpu.memref_squeeze %dma_start3A_627 : memref<1x128x128xf32, #tpu.memory_space<vmem>> -> memref<128x128xf32, #tpu.memory_space<vmem>>
    %dma_start3A_629 = arith.constant 0 : i32
    %dma_start3A_630 = tpu.memref_slice %arg4[%dma_start3A_624, %mul3A_2, %dma_start3A_629] : memref<50x4096x128xf32, #tpu.memory_space<hbm>> -> memref<1x128x128xf32, #tpu.memory_space<hbm>>
    %dma_start3A_631 = tpu.memref_squeeze %dma_start3A_630 : memref<1x128x128xf32, #tpu.memory_space<hbm>> -> memref<128x128xf32, #tpu.memory_space<hbm>>
    %dma_start3A_632 = arith.constant 0 : i32
    %dma_start3A_633 = tpu.memref_slice %arg4[%dma_start3A_624, %mul3A_2, %dma_start3A_632] : memref<50x4096x128xf32, #tpu.memory_space<hbm>> -> memref<1x128x128xf32, #tpu.memory_space<hbm>>
    %dma_start3A_634 = tpu.memref_squeeze %dma_start3A_633 : memref<1x128x128xf32, #tpu.memory_space<hbm>> -> memref<128x128xf32, #tpu.memory_space<hbm>>
    %dma_start3A_635 = arith.constant 0 : i32
    %dma_start3A_636 = arith.constant 0 : i32
    %dma_start3A_637 = tpu.memref_slice %arg6[%dma_start3A_623, %dma_start3A_635, %dma_start3A_636] : memref<7x128x128xf32, #tpu.memory_space<vmem>> -> memref<1x128x128xf32, #tpu.memory_space<vmem>>
    %dma_start3A_638 = tpu.memref_squeeze %dma_start3A_637 : memref<1x128x128xf32, #tpu.memory_space<vmem>> -> memref<128x128xf32, #tpu.memory_space<vmem>>
    tpu.enqueue_dma source(%dma_start3A_638 : memref<128x128xf32, #tpu.memory_space<vmem>>) target(%dma_start3A_634 : memref<128x128xf32, #tpu.memory_space<hbm>>) target_semaphore(%arg17 : memref<!tpu.dma_semaphore, #tpu.memory_space<semaphore_mem>>)
    %dma_wait3A_639 = arith.constant 2 : i32
    %dma_wait3A_640 = arith.constant 44 : i32
    %dma_wait3A_641 = arith.constant 0 : i32
    %dma_wait3A_642 = arith.constant 0 : i32
    %dma_wait3A_643 = tpu.memref_slice %arg6[%dma_wait3A_639, %dma_wait3A_641, %dma_wait3A_642] : memref<7x128x128xf32, #tpu.memory_space<vmem>> -> memref<1x128x128xf32, #tpu.memory_space<vmem>>
    %dma_wait3A_644 = tpu.memref_squeeze %dma_wait3A_643 : memref<1x128x128xf32, #tpu.memory_space<vmem>> -> memref<128x128xf32, #tpu.memory_space<vmem>>
    %dma_wait3A_645 = arith.constant 0 : i32
    %dma_wait3A_646 = tpu.memref_slice %arg4[%dma_wait3A_640, %mul3A_2, %dma_wait3A_645] : memref<50x4096x128xf32, #tpu.memory_space<hbm>> -> memref<1x128x128xf32, #tpu.memory_space<hbm>>
    %dma_wait3A_647 = tpu.memref_squeeze %dma_wait3A_646 : memref<1x128x128xf32, #tpu.memory_space<hbm>> -> memref<128x128xf32, #tpu.memory_space<hbm>>
    %dma_wait3A_648 = arith.constant 0 : i32
    %dma_wait3A_649 = tpu.memref_slice %arg4[%dma_wait3A_640, %mul3A_2, %dma_wait3A_648] : memref<50x4096x128xf32, #tpu.memory_space<hbm>> -> memref<1x128x128xf32, #tpu.memory_space<hbm>>
    %dma_wait3A_650 = tpu.memref_squeeze %dma_wait3A_649 : memref<1x128x128xf32, #tpu.memory_space<hbm>> -> memref<128x128xf32, #tpu.memory_space<hbm>>
    %dma_wait3A_651 = arith.constant 0 : i32
    %dma_wait3A_652 = arith.constant 0 : i32
    %dma_wait3A_653 = tpu.memref_slice %arg6[%dma_wait3A_639, %dma_wait3A_651, %dma_wait3A_652] : memref<7x128x128xf32, #tpu.memory_space<vmem>> -> memref<1x128x128xf32, #tpu.memory_space<vmem>>
    %dma_wait3A_654 = tpu.memref_squeeze %dma_wait3A_653 : memref<1x128x128xf32, #tpu.memory_space<vmem>> -> memref<128x128xf32, #tpu.memory_space<vmem>>
    tpu.wait_dma2 semaphore(%arg16 : memref<!tpu.dma_semaphore, #tpu.memory_space<semaphore_mem>>) src(%dma_wait3A_654 : memref<128x128xf32, #tpu.memory_space<vmem>>) dst(%dma_wait3A_650 : memref<128x128xf32, #tpu.memory_space<hbm>>)
    %dma_wait3A_655 = arith.constant 46 : i32
    %dma_wait3A_656 = arith.constant 4 : i32
    %dma_wait3A_657 = arith.constant 0 : i32
    %dma_wait3A_658 = arith.constant 0 : i32
    %dma_wait3A_659 = tpu.memref_slice %arg6[%dma_wait3A_656, %dma_wait3A_657, %dma_wait3A_658] : memref<7x128x128xf32, #tpu.memory_space<vmem>> -> memref<1x128x128xf32, #tpu.memory_space<vmem>>
    %dma_wait3A_660 = tpu.memref_squeeze %dma_wait3A_659 : memref<1x128x128xf32, #tpu.memory_space<vmem>> -> memref<128x128xf32, #tpu.memory_space<vmem>>
    %dma_wait3A_661 = arith.constant 0 : i32
    %dma_wait3A_662 = tpu.memref_slice %arg5[%dma_wait3A_655, %dma_wait3A_661] : memref<50x128xi32, #tpu.memory_space<vmem>> -> memref<1x128xi32, #tpu.memory_space<vmem>>
    %dma_wait3A_663 = tpu.memref_squeeze %dma_wait3A_662 : memref<1x128xi32, #tpu.memory_space<vmem>> -> memref<128xi32, #tpu.memory_space<vmem>>
    %dma_wait3A_664 = arith.constant 0 : i32
    %dma_wait3A_665 = arith.constant 0 : i32
    %dma_wait3A_666 = tpu.memref_slice %arg3[%dma_wait3A_664, %dma_wait3A_665] : memref<100000x128xf32, #tpu.memory_space<hbm>> -> memref<100000x128xf32, #tpu.memory_space<hbm>>
    tpu.wait_indirect_dma semaphore(%arg11 : memref<!tpu.dma_semaphore, #tpu.memory_space<semaphore_mem>>) src(%dma_wait3A_666 : memref<100000x128xf32, #tpu.memory_space<hbm>>) dst(%dma_wait3A_660 : memref<128x128xf32, #tpu.memory_space<vmem>>)
    %dma_start3A_667 = arith.constant 4 : i32
    %dma_start3A_668 = arith.constant 46 : i32
    %dma_start3A_669 = arith.constant 0 : i32
    %dma_start3A_670 = arith.constant 0 : i32
    %dma_start3A_671 = tpu.memref_slice %arg6[%dma_start3A_667, %dma_start3A_669, %dma_start3A_670] : memref<7x128x128xf32, #tpu.memory_space<vmem>> -> memref<1x128x128xf32, #tpu.memory_space<vmem>>
    %dma_start3A_672 = tpu.memref_squeeze %dma_start3A_671 : memref<1x128x128xf32, #tpu.memory_space<vmem>> -> memref<128x128xf32, #tpu.memory_space<vmem>>
    %dma_start3A_673 = arith.constant 0 : i32
    %dma_start3A_674 = tpu.memref_slice %arg4[%dma_start3A_668, %mul3A_2, %dma_start3A_673] : memref<50x4096x128xf32, #tpu.memory_space<hbm>> -> memref<1x128x128xf32, #tpu.memory_space<hbm>>
    %dma_start3A_675 = tpu.memref_squeeze %dma_start3A_674 : memref<1x128x128xf32, #tpu.memory_space<hbm>> -> memref<128x128xf32, #tpu.memory_space<hbm>>
    %dma_start3A_676 = arith.constant 0 : i32
    %dma_start3A_677 = tpu.memref_slice %arg4[%dma_start3A_668, %mul3A_2, %dma_start3A_676] : memref<50x4096x128xf32, #tpu.memory_space<hbm>> -> memref<1x128x128xf32, #tpu.memory_space<hbm>>
    %dma_start3A_678 = tpu.memref_squeeze %dma_start3A_677 : memref<1x128x128xf32, #tpu.memory_space<hbm>> -> memref<128x128xf32, #tpu.memory_space<hbm>>
    %dma_start3A_679 = arith.constant 0 : i32
    %dma_start3A_680 = arith.constant 0 : i32
    %dma_start3A_681 = tpu.memref_slice %arg6[%dma_start3A_667, %dma_start3A_679, %dma_start3A_680] : memref<7x128x128xf32, #tpu.memory_space<vmem>> -> memref<1x128x128xf32, #tpu.memory_space<vmem>>
    %dma_start3A_682 = tpu.memref_squeeze %dma_start3A_681 : memref<1x128x128xf32, #tpu.memory_space<vmem>> -> memref<128x128xf32, #tpu.memory_space<vmem>>
    tpu.enqueue_dma source(%dma_start3A_682 : memref<128x128xf32, #tpu.memory_space<vmem>>) target(%dma_start3A_678 : memref<128x128xf32, #tpu.memory_space<hbm>>) target_semaphore(%arg18 : memref<!tpu.dma_semaphore, #tpu.memory_space<semaphore_mem>>)
    %dma_wait3A_683 = arith.constant 3 : i32
    %dma_wait3A_684 = arith.constant 45 : i32
    %dma_wait3A_685 = arith.constant 0 : i32
    %dma_wait3A_686 = arith.constant 0 : i32
    %dma_wait3A_687 = tpu.memref_slice %arg6[%dma_wait3A_683, %dma_wait3A_685, %dma_wait3A_686] : memref<7x128x128xf32, #tpu.memory_space<vmem>> -> memref<1x128x128xf32, #tpu.memory_space<vmem>>
    %dma_wait3A_688 = tpu.memref_squeeze %dma_wait3A_687 : memref<1x128x128xf32, #tpu.memory_space<vmem>> -> memref<128x128xf32, #tpu.memory_space<vmem>>
    %dma_wait3A_689 = arith.constant 0 : i32
    %dma_wait3A_690 = tpu.memref_slice %arg4[%dma_wait3A_684, %mul3A_2, %dma_wait3A_689] : memref<50x4096x128xf32, #tpu.memory_space<hbm>> -> memref<1x128x128xf32, #tpu.memory_space<hbm>>
    %dma_wait3A_691 = tpu.memref_squeeze %dma_wait3A_690 : memref<1x128x128xf32, #tpu.memory_space<hbm>> -> memref<128x128xf32, #tpu.memory_space<hbm>>
    %dma_wait3A_692 = arith.constant 0 : i32
    %dma_wait3A_693 = tpu.memref_slice %arg4[%dma_wait3A_684, %mul3A_2, %dma_wait3A_692] : memref<50x4096x128xf32, #tpu.memory_space<hbm>> -> memref<1x128x128xf32, #tpu.memory_space<hbm>>
    %dma_wait3A_694 = tpu.memref_squeeze %dma_wait3A_693 : memref<1x128x128xf32, #tpu.memory_space<hbm>> -> memref<128x128xf32, #tpu.memory_space<hbm>>
    %dma_wait3A_695 = arith.constant 0 : i32
    %dma_wait3A_696 = arith.constant 0 : i32
    %dma_wait3A_697 = tpu.memref_slice %arg6[%dma_wait3A_683, %dma_wait3A_695, %dma_wait3A_696] : memref<7x128x128xf32, #tpu.memory_space<vmem>> -> memref<1x128x128xf32, #tpu.memory_space<vmem>>
    %dma_wait3A_698 = tpu.memref_squeeze %dma_wait3A_697 : memref<1x128x128xf32, #tpu.memory_space<vmem>> -> memref<128x128xf32, #tpu.memory_space<vmem>>
    tpu.wait_dma2 semaphore(%arg17 : memref<!tpu.dma_semaphore, #tpu.memory_space<semaphore_mem>>) src(%dma_wait3A_698 : memref<128x128xf32, #tpu.memory_space<vmem>>) dst(%dma_wait3A_694 : memref<128x128xf32, #tpu.memory_space<hbm>>)
    %dma_wait3A_699 = arith.constant 47 : i32
    %dma_wait3A_700 = arith.constant 5 : i32
    %dma_wait3A_701 = arith.constant 0 : i32
    %dma_wait3A_702 = arith.constant 0 : i32
    %dma_wait3A_703 = tpu.memref_slice %arg6[%dma_wait3A_700, %dma_wait3A_701, %dma_wait3A_702] : memref<7x128x128xf32, #tpu.memory_space<vmem>> -> memref<1x128x128xf32, #tpu.memory_space<vmem>>
    %dma_wait3A_704 = tpu.memref_squeeze %dma_wait3A_703 : memref<1x128x128xf32, #tpu.memory_space<vmem>> -> memref<128x128xf32, #tpu.memory_space<vmem>>
    %dma_wait3A_705 = arith.constant 0 : i32
    %dma_wait3A_706 = tpu.memref_slice %arg5[%dma_wait3A_699, %dma_wait3A_705] : memref<50x128xi32, #tpu.memory_space<vmem>> -> memref<1x128xi32, #tpu.memory_space<vmem>>
    %dma_wait3A_707 = tpu.memref_squeeze %dma_wait3A_706 : memref<1x128xi32, #tpu.memory_space<vmem>> -> memref<128xi32, #tpu.memory_space<vmem>>
    %dma_wait3A_708 = arith.constant 0 : i32
    %dma_wait3A_709 = arith.constant 0 : i32
    %dma_wait3A_710 = tpu.memref_slice %arg3[%dma_wait3A_708, %dma_wait3A_709] : memref<100000x128xf32, #tpu.memory_space<hbm>> -> memref<100000x128xf32, #tpu.memory_space<hbm>>
    tpu.wait_indirect_dma semaphore(%arg12 : memref<!tpu.dma_semaphore, #tpu.memory_space<semaphore_mem>>) src(%dma_wait3A_710 : memref<100000x128xf32, #tpu.memory_space<hbm>>) dst(%dma_wait3A_704 : memref<128x128xf32, #tpu.memory_space<vmem>>)
    %dma_start3A_711 = arith.constant 5 : i32
    %dma_start3A_712 = arith.constant 47 : i32
    %dma_start3A_713 = arith.constant 0 : i32
    %dma_start3A_714 = arith.constant 0 : i32
    %dma_start3A_715 = tpu.memref_slice %arg6[%dma_start3A_711, %dma_start3A_713, %dma_start3A_714] : memref<7x128x128xf32, #tpu.memory_space<vmem>> -> memref<1x128x128xf32, #tpu.memory_space<vmem>>
    %dma_start3A_716 = tpu.memref_squeeze %dma_start3A_715 : memref<1x128x128xf32, #tpu.memory_space<vmem>> -> memref<128x128xf32, #tpu.memory_space<vmem>>
    %dma_start3A_717 = arith.constant 0 : i32
    %dma_start3A_718 = tpu.memref_slice %arg4[%dma_start3A_712, %mul3A_2, %dma_start3A_717] : memref<50x4096x128xf32, #tpu.memory_space<hbm>> -> memref<1x128x128xf32, #tpu.memory_space<hbm>>
    %dma_start3A_719 = tpu.memref_squeeze %dma_start3A_718 : memref<1x128x128xf32, #tpu.memory_space<hbm>> -> memref<128x128xf32, #tpu.memory_space<hbm>>
    %dma_start3A_720 = arith.constant 0 : i32
    %dma_start3A_721 = tpu.memref_slice %arg4[%dma_start3A_712, %mul3A_2, %dma_start3A_720] : memref<50x4096x128xf32, #tpu.memory_space<hbm>> -> memref<1x128x128xf32, #tpu.memory_space<hbm>>
    %dma_start3A_722 = tpu.memref_squeeze %dma_start3A_721 : memref<1x128x128xf32, #tpu.memory_space<hbm>> -> memref<128x128xf32, #tpu.memory_space<hbm>>
    %dma_start3A_723 = arith.constant 0 : i32
    %dma_start3A_724 = arith.constant 0 : i32
    %dma_start3A_725 = tpu.memref_slice %arg6[%dma_start3A_711, %dma_start3A_723, %dma_start3A_724] : memref<7x128x128xf32, #tpu.memory_space<vmem>> -> memref<1x128x128xf32, #tpu.memory_space<vmem>>
    %dma_start3A_726 = tpu.memref_squeeze %dma_start3A_725 : memref<1x128x128xf32, #tpu.memory_space<vmem>> -> memref<128x128xf32, #tpu.memory_space<vmem>>
    tpu.enqueue_dma source(%dma_start3A_726 : memref<128x128xf32, #tpu.memory_space<vmem>>) target(%dma_start3A_722 : memref<128x128xf32, #tpu.memory_space<hbm>>) target_semaphore(%arg19 : memref<!tpu.dma_semaphore, #tpu.memory_space<semaphore_mem>>)
    %dma_wait3A_727 = arith.constant 4 : i32
    %dma_wait3A_728 = arith.constant 46 : i32
    %dma_wait3A_729 = arith.constant 0 : i32
    %dma_wait3A_730 = arith.constant 0 : i32
    %dma_wait3A_731 = tpu.memref_slice %arg6[%dma_wait3A_727, %dma_wait3A_729, %dma_wait3A_730] : memref<7x128x128xf32, #tpu.memory_space<vmem>> -> memref<1x128x128xf32, #tpu.memory_space<vmem>>
    %dma_wait3A_732 = tpu.memref_squeeze %dma_wait3A_731 : memref<1x128x128xf32, #tpu.memory_space<vmem>> -> memref<128x128xf32, #tpu.memory_space<vmem>>
    %dma_wait3A_733 = arith.constant 0 : i32
    %dma_wait3A_734 = tpu.memref_slice %arg4[%dma_wait3A_728, %mul3A_2, %dma_wait3A_733] : memref<50x4096x128xf32, #tpu.memory_space<hbm>> -> memref<1x128x128xf32, #tpu.memory_space<hbm>>
    %dma_wait3A_735 = tpu.memref_squeeze %dma_wait3A_734 : memref<1x128x128xf32, #tpu.memory_space<hbm>> -> memref<128x128xf32, #tpu.memory_space<hbm>>
    %dma_wait3A_736 = arith.constant 0 : i32
    %dma_wait3A_737 = tpu.memref_slice %arg4[%dma_wait3A_728, %mul3A_2, %dma_wait3A_736] : memref<50x4096x128xf32, #tpu.memory_space<hbm>> -> memref<1x128x128xf32, #tpu.memory_space<hbm>>
    %dma_wait3A_738 = tpu.memref_squeeze %dma_wait3A_737 : memref<1x128x128xf32, #tpu.memory_space<hbm>> -> memref<128x128xf32, #tpu.memory_space<hbm>>
    %dma_wait3A_739 = arith.constant 0 : i32
    %dma_wait3A_740 = arith.constant 0 : i32
    %dma_wait3A_741 = tpu.memref_slice %arg6[%dma_wait3A_727, %dma_wait3A_739, %dma_wait3A_740] : memref<7x128x128xf32, #tpu.memory_space<vmem>> -> memref<1x128x128xf32, #tpu.memory_space<vmem>>
    %dma_wait3A_742 = tpu.memref_squeeze %dma_wait3A_741 : memref<1x128x128xf32, #tpu.memory_space<vmem>> -> memref<128x128xf32, #tpu.memory_space<vmem>>
    tpu.wait_dma2 semaphore(%arg18 : memref<!tpu.dma_semaphore, #tpu.memory_space<semaphore_mem>>) src(%dma_wait3A_742 : memref<128x128xf32, #tpu.memory_space<vmem>>) dst(%dma_wait3A_738 : memref<128x128xf32, #tpu.memory_space<hbm>>)
    %dma_wait3A_743 = arith.constant 48 : i32
    %dma_wait3A_744 = arith.constant 6 : i32
    %dma_wait3A_745 = arith.constant 0 : i32
    %dma_wait3A_746 = arith.constant 0 : i32
    %dma_wait3A_747 = tpu.memref_slice %arg6[%dma_wait3A_744, %dma_wait3A_745, %dma_wait3A_746] : memref<7x128x128xf32, #tpu.memory_space<vmem>> -> memref<1x128x128xf32, #tpu.memory_space<vmem>>
    %dma_wait3A_748 = tpu.memref_squeeze %dma_wait3A_747 : memref<1x128x128xf32, #tpu.memory_space<vmem>> -> memref<128x128xf32, #tpu.memory_space<vmem>>
    %dma_wait3A_749 = arith.constant 0 : i32
    %dma_wait3A_750 = tpu.memref_slice %arg5[%dma_wait3A_743, %dma_wait3A_749] : memref<50x128xi32, #tpu.memory_space<vmem>> -> memref<1x128xi32, #tpu.memory_space<vmem>>
    %dma_wait3A_751 = tpu.memref_squeeze %dma_wait3A_750 : memref<1x128xi32, #tpu.memory_space<vmem>> -> memref<128xi32, #tpu.memory_space<vmem>>
    %dma_wait3A_752 = arith.constant 0 : i32
    %dma_wait3A_753 = arith.constant 0 : i32
    %dma_wait3A_754 = tpu.memref_slice %arg3[%dma_wait3A_752, %dma_wait3A_753] : memref<100000x128xf32, #tpu.memory_space<hbm>> -> memref<100000x128xf32, #tpu.memory_space<hbm>>
    tpu.wait_indirect_dma semaphore(%arg13 : memref<!tpu.dma_semaphore, #tpu.memory_space<semaphore_mem>>) src(%dma_wait3A_754 : memref<100000x128xf32, #tpu.memory_space<hbm>>) dst(%dma_wait3A_748 : memref<128x128xf32, #tpu.memory_space<vmem>>)
    %dma_start3A_755 = arith.constant 6 : i32
    %dma_start3A_756 = arith.constant 48 : i32
    %dma_start3A_757 = arith.constant 0 : i32
    %dma_start3A_758 = arith.constant 0 : i32
    %dma_start3A_759 = tpu.memref_slice %arg6[%dma_start3A_755, %dma_start3A_757, %dma_start3A_758] : memref<7x128x128xf32, #tpu.memory_space<vmem>> -> memref<1x128x128xf32, #tpu.memory_space<vmem>>
    %dma_start3A_760 = tpu.memref_squeeze %dma_start3A_759 : memref<1x128x128xf32, #tpu.memory_space<vmem>> -> memref<128x128xf32, #tpu.memory_space<vmem>>
    %dma_start3A_761 = arith.constant 0 : i32
    %dma_start3A_762 = tpu.memref_slice %arg4[%dma_start3A_756, %mul3A_2, %dma_start3A_761] : memref<50x4096x128xf32, #tpu.memory_space<hbm>> -> memref<1x128x128xf32, #tpu.memory_space<hbm>>
    %dma_start3A_763 = tpu.memref_squeeze %dma_start3A_762 : memref<1x128x128xf32, #tpu.memory_space<hbm>> -> memref<128x128xf32, #tpu.memory_space<hbm>>
    %dma_start3A_764 = arith.constant 0 : i32
    %dma_start3A_765 = tpu.memref_slice %arg4[%dma_start3A_756, %mul3A_2, %dma_start3A_764] : memref<50x4096x128xf32, #tpu.memory_space<hbm>> -> memref<1x128x128xf32, #tpu.memory_space<hbm>>
    %dma_start3A_766 = tpu.memref_squeeze %dma_start3A_765 : memref<1x128x128xf32, #tpu.memory_space<hbm>> -> memref<128x128xf32, #tpu.memory_space<hbm>>
    %dma_start3A_767 = arith.constant 0 : i32
    %dma_start3A_768 = arith.constant 0 : i32
    %dma_start3A_769 = tpu.memref_slice %arg6[%dma_start3A_755, %dma_start3A_767, %dma_start3A_768] : memref<7x128x128xf32, #tpu.memory_space<vmem>> -> memref<1x128x128xf32, #tpu.memory_space<vmem>>
    %dma_start3A_770 = tpu.memref_squeeze %dma_start3A_769 : memref<1x128x128xf32, #tpu.memory_space<vmem>> -> memref<128x128xf32, #tpu.memory_space<vmem>>
    tpu.enqueue_dma source(%dma_start3A_770 : memref<128x128xf32, #tpu.memory_space<vmem>>) target(%dma_start3A_766 : memref<128x128xf32, #tpu.memory_space<hbm>>) target_semaphore(%arg20 : memref<!tpu.dma_semaphore, #tpu.memory_space<semaphore_mem>>)
    %dma_wait3A_771 = arith.constant 5 : i32
    %dma_wait3A_772 = arith.constant 47 : i32
    %dma_wait3A_773 = arith.constant 0 : i32
    %dma_wait3A_774 = arith.constant 0 : i32
    %dma_wait3A_775 = tpu.memref_slice %arg6[%dma_wait3A_771, %dma_wait3A_773, %dma_wait3A_774] : memref<7x128x128xf32, #tpu.memory_space<vmem>> -> memref<1x128x128xf32, #tpu.memory_space<vmem>>
    %dma_wait3A_776 = tpu.memref_squeeze %dma_wait3A_775 : memref<1x128x128xf32, #tpu.memory_space<vmem>> -> memref<128x128xf32, #tpu.memory_space<vmem>>
    %dma_wait3A_777 = arith.constant 0 : i32
    %dma_wait3A_778 = tpu.memref_slice %arg4[%dma_wait3A_772, %mul3A_2, %dma_wait3A_777] : memref<50x4096x128xf32, #tpu.memory_space<hbm>> -> memref<1x128x128xf32, #tpu.memory_space<hbm>>
    %dma_wait3A_779 = tpu.memref_squeeze %dma_wait3A_778 : memref<1x128x128xf32, #tpu.memory_space<hbm>> -> memref<128x128xf32, #tpu.memory_space<hbm>>
    %dma_wait3A_780 = arith.constant 0 : i32
    %dma_wait3A_781 = tpu.memref_slice %arg4[%dma_wait3A_772, %mul3A_2, %dma_wait3A_780] : memref<50x4096x128xf32, #tpu.memory_space<hbm>> -> memref<1x128x128xf32, #tpu.memory_space<hbm>>
    %dma_wait3A_782 = tpu.memref_squeeze %dma_wait3A_781 : memref<1x128x128xf32, #tpu.memory_space<hbm>> -> memref<128x128xf32, #tpu.memory_space<hbm>>
    %dma_wait3A_783 = arith.constant 0 : i32
    %dma_wait3A_784 = arith.constant 0 : i32
    %dma_wait3A_785 = tpu.memref_slice %arg6[%dma_wait3A_771, %dma_wait3A_783, %dma_wait3A_784] : memref<7x128x128xf32, #tpu.memory_space<vmem>> -> memref<1x128x128xf32, #tpu.memory_space<vmem>>
    %dma_wait3A_786 = tpu.memref_squeeze %dma_wait3A_785 : memref<1x128x128xf32, #tpu.memory_space<vmem>> -> memref<128x128xf32, #tpu.memory_space<vmem>>
    tpu.wait_dma2 semaphore(%arg19 : memref<!tpu.dma_semaphore, #tpu.memory_space<semaphore_mem>>) src(%dma_wait3A_786 : memref<128x128xf32, #tpu.memory_space<vmem>>) dst(%dma_wait3A_782 : memref<128x128xf32, #tpu.memory_space<hbm>>)
    %dma_wait3A_787 = arith.constant 49 : i32
    %dma_wait3A_788 = arith.constant 0 : i32
    %dma_wait3A_789 = arith.constant 0 : i32
    %dma_wait3A_790 = arith.constant 0 : i32
    %dma_wait3A_791 = tpu.memref_slice %arg6[%dma_wait3A_788, %dma_wait3A_789, %dma_wait3A_790] : memref<7x128x128xf32, #tpu.memory_space<vmem>> -> memref<1x128x128xf32, #tpu.memory_space<vmem>>
    %dma_wait3A_792 = tpu.memref_squeeze %dma_wait3A_791 : memref<1x128x128xf32, #tpu.memory_space<vmem>> -> memref<128x128xf32, #tpu.memory_space<vmem>>
    %dma_wait3A_793 = arith.constant 0 : i32
    %dma_wait3A_794 = tpu.memref_slice %arg5[%dma_wait3A_787, %dma_wait3A_793] : memref<50x128xi32, #tpu.memory_space<vmem>> -> memref<1x128xi32, #tpu.memory_space<vmem>>
    %dma_wait3A_795 = tpu.memref_squeeze %dma_wait3A_794 : memref<1x128xi32, #tpu.memory_space<vmem>> -> memref<128xi32, #tpu.memory_space<vmem>>
    %dma_wait3A_796 = arith.constant 0 : i32
    %dma_wait3A_797 = arith.constant 0 : i32
    %dma_wait3A_798 = tpu.memref_slice %arg3[%dma_wait3A_796, %dma_wait3A_797] : memref<100000x128xf32, #tpu.memory_space<hbm>> -> memref<100000x128xf32, #tpu.memory_space<hbm>>
    tpu.wait_indirect_dma semaphore(%arg7 : memref<!tpu.dma_semaphore, #tpu.memory_space<semaphore_mem>>) src(%dma_wait3A_798 : memref<100000x128xf32, #tpu.memory_space<hbm>>) dst(%dma_wait3A_792 : memref<128x128xf32, #tpu.memory_space<vmem>>)
    %dma_start3A_799 = arith.constant 0 : i32
    %dma_start3A_800 = arith.constant 49 : i32
    %dma_start3A_801 = arith.constant 0 : i32
    %dma_start3A_802 = arith.constant 0 : i32
    %dma_start3A_803 = tpu.memref_slice %arg6[%dma_start3A_799, %dma_start3A_801, %dma_start3A_802] : memref<7x128x128xf32, #tpu.memory_space<vmem>> -> memref<1x128x128xf32, #tpu.memory_space<vmem>>
    %dma_start3A_804 = tpu.memref_squeeze %dma_start3A_803 : memref<1x128x128xf32, #tpu.memory_space<vmem>> -> memref<128x128xf32, #tpu.memory_space<vmem>>
    %dma_start3A_805 = arith.constant 0 : i32
    %dma_start3A_806 = tpu.memref_slice %arg4[%dma_start3A_800, %mul3A_2, %dma_start3A_805] : memref<50x4096x128xf32, #tpu.memory_space<hbm>> -> memref<1x128x128xf32, #tpu.memory_space<hbm>>
    %dma_start3A_807 = tpu.memref_squeeze %dma_start3A_806 : memref<1x128x128xf32, #tpu.memory_space<hbm>> -> memref<128x128xf32, #tpu.memory_space<hbm>>
    %dma_start3A_808 = arith.constant 0 : i32
    %dma_start3A_809 = tpu.memref_slice %arg4[%dma_start3A_800, %mul3A_2, %dma_start3A_808] : memref<50x4096x128xf32, #tpu.memory_space<hbm>> -> memref<1x128x128xf32, #tpu.memory_space<hbm>>
    %dma_start3A_810 = tpu.memref_squeeze %dma_start3A_809 : memref<1x128x128xf32, #tpu.memory_space<hbm>> -> memref<128x128xf32, #tpu.memory_space<hbm>>
    %dma_start3A_811 = arith.constant 0 : i32
    %dma_start3A_812 = arith.constant 0 : i32
    %dma_start3A_813 = tpu.memref_slice %arg6[%dma_start3A_799, %dma_start3A_811, %dma_start3A_812] : memref<7x128x128xf32, #tpu.memory_space<vmem>> -> memref<1x128x128xf32, #tpu.memory_space<vmem>>
    %dma_start3A_814 = tpu.memref_squeeze %dma_start3A_813 : memref<1x128x128xf32, #tpu.memory_space<vmem>> -> memref<128x128xf32, #tpu.memory_space<vmem>>
    tpu.enqueue_dma source(%dma_start3A_814 : memref<128x128xf32, #tpu.memory_space<vmem>>) target(%dma_start3A_810 : memref<128x128xf32, #tpu.memory_space<hbm>>) target_semaphore(%arg14 : memref<!tpu.dma_semaphore, #tpu.memory_space<semaphore_mem>>)
    %dma_wait3A_815 = arith.constant 6 : i32
    %dma_wait3A_816 = arith.constant 48 : i32
    %dma_wait3A_817 = arith.constant 0 : i32
    %dma_wait3A_818 = arith.constant 0 : i32
    %dma_wait3A_819 = tpu.memref_slice %arg6[%dma_wait3A_815, %dma_wait3A_817, %dma_wait3A_818] : memref<7x128x128xf32, #tpu.memory_space<vmem>> -> memref<1x128x128xf32, #tpu.memory_space<vmem>>
    %dma_wait3A_820 = tpu.memref_squeeze %dma_wait3A_819 : memref<1x128x128xf32, #tpu.memory_space<vmem>> -> memref<128x128xf32, #tpu.memory_space<vmem>>
    %dma_wait3A_821 = arith.constant 0 : i32
    %dma_wait3A_822 = tpu.memref_slice %arg4[%dma_wait3A_816, %mul3A_2, %dma_wait3A_821] : memref<50x4096x128xf32, #tpu.memory_space<hbm>> -> memref<1x128x128xf32, #tpu.memory_space<hbm>>
    %dma_wait3A_823 = tpu.memref_squeeze %dma_wait3A_822 : memref<1x128x128xf32, #tpu.memory_space<hbm>> -> memref<128x128xf32, #tpu.memory_space<hbm>>
    %dma_wait3A_824 = arith.constant 0 : i32
    %dma_wait3A_825 = tpu.memref_slice %arg4[%dma_wait3A_816, %mul3A_2, %dma_wait3A_824] : memref<50x4096x128xf32, #tpu.memory_space<hbm>> -> memref<1x128x128xf32, #tpu.memory_space<hbm>>
    %dma_wait3A_826 = tpu.memref_squeeze %dma_wait3A_825 : memref<1x128x128xf32, #tpu.memory_space<hbm>> -> memref<128x128xf32, #tpu.memory_space<hbm>>
    %dma_wait3A_827 = arith.constant 0 : i32
    %dma_wait3A_828 = arith.constant 0 : i32
    %dma_wait3A_829 = tpu.memref_slice %arg6[%dma_wait3A_815, %dma_wait3A_827, %dma_wait3A_828] : memref<7x128x128xf32, #tpu.memory_space<vmem>> -> memref<1x128x128xf32, #tpu.memory_space<vmem>>
    %dma_wait3A_830 = tpu.memref_squeeze %dma_wait3A_829 : memref<1x128x128xf32, #tpu.memory_space<vmem>> -> memref<128x128xf32, #tpu.memory_space<vmem>>
    tpu.wait_dma2 semaphore(%arg20 : memref<!tpu.dma_semaphore, #tpu.memory_space<semaphore_mem>>) src(%dma_wait3A_830 : memref<128x128xf32, #tpu.memory_space<vmem>>) dst(%dma_wait3A_826 : memref<128x128xf32, #tpu.memory_space<hbm>>)
    %dma_wait3A_831 = arith.constant 0 : i32
    %dma_wait3A_832 = arith.constant 49 : i32
    %dma_wait3A_833 = arith.constant 0 : i32
    %dma_wait3A_834 = arith.constant 0 : i32
    %dma_wait3A_835 = tpu.memref_slice %arg6[%dma_wait3A_831, %dma_wait3A_833, %dma_wait3A_834] : memref<7x128x128xf32, #tpu.memory_space<vmem>> -> memref<1x128x128xf32, #tpu.memory_space<vmem>>
    %dma_wait3A_836 = tpu.memref_squeeze %dma_wait3A_835 : memref<1x128x128xf32, #tpu.memory_space<vmem>> -> memref<128x128xf32, #tpu.memory_space<vmem>>
    %dma_wait3A_837 = arith.constant 0 : i32
    %dma_wait3A_838 = tpu.memref_slice %arg4[%dma_wait3A_832, %mul3A_2, %dma_wait3A_837] : memref<50x4096x128xf32, #tpu.memory_space<hbm>> -> memref<1x128x128xf32, #tpu.memory_space<hbm>>
    %dma_wait3A_839 = tpu.memref_squeeze %dma_wait3A_838 : memref<1x128x128xf32, #tpu.memory_space<hbm>> -> memref<128x128xf32, #tpu.memory_space<hbm>>
    %dma_wait3A_840 = arith.constant 0 : i32
    %dma_wait3A_841 = tpu.memref_slice %arg4[%dma_wait3A_832, %mul3A_2, %dma_wait3A_840] : memref<50x4096x128xf32, #tpu.memory_space<hbm>> -> memref<1x128x128xf32, #tpu.memory_space<hbm>>
    %dma_wait3A_842 = tpu.memref_squeeze %dma_wait3A_841 : memref<1x128x128xf32, #tpu.memory_space<hbm>> -> memref<128x128xf32, #tpu.memory_space<hbm>>
    %dma_wait3A_843 = arith.constant 0 : i32
    %dma_wait3A_844 = arith.constant 0 : i32
    %dma_wait3A_845 = tpu.memref_slice %arg6[%dma_wait3A_831, %dma_wait3A_843, %dma_wait3A_844] : memref<7x128x128xf32, #tpu.memory_space<vmem>> -> memref<1x128x128xf32, #tpu.memory_space<vmem>>
    %dma_wait3A_846 = tpu.memref_squeeze %dma_wait3A_845 : memref<1x128x128xf32, #tpu.memory_space<vmem>> -> memref<128x128xf32, #tpu.memory_space<vmem>>
    tpu.wait_dma2 semaphore(%arg14 : memref<!tpu.dma_semaphore, #tpu.memory_space<semaphore_mem>>) src(%dma_wait3A_846 : memref<128x128xf32, #tpu.memory_space<vmem>>) dst(%dma_wait3A_842 : memref<128x128xf32, #tpu.memory_space<hbm>>)
    return
  }
}

</mosaic_0001>

<sc_bundles>
// kernel: kernel.3.cloned.1.call-start
scs
__scs_entry_jumppad:
0x0: {  	(pc) =	sbr.rel $0x88, $3  }
0x1: {  	(tag) =	ssettag $0x0;
	lr =	simm.s32 $0x1  }
0x2: {  	[smem:$0x3F9F] =	sst lr;
	_ =	strace $0xD0000000  }
0x3: {  	_ = 	snop  }
0x4: {  	_ = 	snop  }
0x5: {  	_ = 	snop  }
0x6: {  	_ = 	snop  }
0x7: {  	_ = 	snop  }
__scs_overlays_trampoline_lowered:
0x8: {  	[smem:$0x3FAE] =	sst s0  }
0x9: {  	[smem:$0x3FAF] =	sst s1  }
0xa: {  	[smem:$0x3FB0] =	sst s2  }
0xb: {  	[smem:$0x3FB1] =	sst s3  }
0xc: {  	[smem:$0x3FB2] =	sst s4  }
0xd: {  	[smem:$0x3FB3] =	sst s5  }
0xe: {  	[smem:$0x3FB4] =	sst s6  }
0xf: {  	[smem:$0x3FB5] =	sst s7  }
0x10: {  	[smem:$0x3FB6] =	sst s8  }
0x11: {  	[smem:$0x3FB7] =	sst s9;
	s0 =	simm.s32 @!p0 $0x0  }
0x12: {  	s1 =	sld [smem:$0x3F9D];
	s0 =	simm.s32 @p0 $0x1  }
0x13: {  	[smem:$0x3FB8] =	sst s0;
	s0 =	simm.s32 @!p1 $0x0  }
0x14: {  	s2 =	sld [smem:$0x3F9C];
	s0 =	simm.s32 @p1 $0x1  }
0x15: {  	[smem:$0x3FB9] =	sst s0;
	s0 =	simm.s32 @!p2 $0x0  }
0x16: {  	s3 =	sld [smem:$0x3FDB];
	s0 =	simm.s32 @p2 $0x1  }
0x17: {  	s4 =	simm.s32 $0x1BF5;
	[smem:$0x3FBB] =	sst s0  }
0x18: {  	s0 =	sld [smem:$0x3F9E];
	_ =	swait.ge [sflag:s4], $0x0  }
0x19: {  	s7 =	sld [smem:$0x3F9F]  }
0x1a: {  	s8 =	sadd.s32 $0xFFFFE003, lr  }
0x1b: {  	s9 =	sadd.s32 $0xFFFFFEF7, lr;
	s5 =	simm.s32 $0xFFFFFFFF;
	p2 =	slt.u32 s8, $0xFFFFF086  }
0x1c: {  	p1 =	slt.u32 s9, $0xF7A;
	s5 =	simm.s32 @!p2 $0x0  }
0x1d: {  	s5 =	simm.s32 @p1 $0x1;
	p0 =	seq.s32 s7, s2  }
0x1e: {  	s7 =	smul.u32 @!p0 $0xF7A, s2;
	p2 =	seq.s32 @!p0 s5, $0x0  }
0x1f: {  	s9 =	smul.u32 $0xF7A, s1;
	s8 =	simm.s32 @!p0 $0x1BF5;
	p2 =	por !p2, p0  }
0x20: {  	[sflag:s8] =	ssyncset.s32 @!p0 $0xFFFFF086;
	s6 =	sadd.s32 @!p0 s3, s7;
	s7 =	simm.s32 @!p0 $0x108  }
0x21: {  	s3 =	sadd.s32 s3, s9;
	s6 =	sadd.s32 @!p0 $0x88, s6;
	s7 =	simm.s32 @p2 $0x1082  }
0x22: {  	[simem:s7], [sflag:s8] =	dma.local @!p0 [hbm:s6], $0xF7A  }
0x23: {  	s9 =	sor.u32 $0xD0000000, s2;
	s6 =	simm.s32 $0x108;
	_ =	swait.ge @!p0 [sflag:s8], $0x0  }
0x24: {  	s3 =	sadd.s32 $0x88, s3;
	s6 =	simm.s32 @!p1 $0x1082;
	[sflag:s4] =	ssyncset.s32 $0xFFFFF086  }
0x25: {  	[simem:s6], [sflag:s4] =	dma.local [hbm:s3], $0xF7A  }
0x26: {  	[smem:$0x3F9F] =	sst s1;
	(tag) =	ssettag s2;
	_ =	strace s9  }
0x27: {  	s1 =	sld [smem:$0x3FAF]  }
0x28: {  	s2 =	sld [smem:$0x3FB0]  }
0x29: {  	s4 =	sld [smem:$0x3FB2]  }
0x2a: {  	p0 =	seq.s32 s5, $0x0;
	s5 =	sld [smem:$0x3FB3]  }
0x2b: {  	s6 =	sld [smem:$0x3FB4]  }
0x2c: {  	s7 =	sld [smem:$0x3FB5]  }
0x2d: {  	s3 =	simm.s32 $0x108;
	s8 =	sld [smem:$0x3FB6]  }
0x2e: {  	s3 =	simm.s32 @!p0 $0x1082;
	s9 =	sld [smem:$0x3FB7]  }
0x2f: {  	lr =	sadd.s32 s0, s3;
	s0 =	sld [smem:$0x3FAE]  }
0x30: {  	s3 =	sld [smem:$0x3FB1]  }
0x31: {  	[smem:$0x3FBA] =	sst s10  }
0x32: {  	s10 =	sld [smem:$0x3FB8];
	_ =	sdelay $0x3  }
0x33: {  	p0 =	seq.s32 s10, $0x1;
	s10 =	sld [smem:$0x3FBA];
	_ =	sdelay $0x3  }
0x34: {  	[smem:$0x3FBA] =	sst s10  }
0x35: {  	s10 =	sld [smem:$0x3FB9];
	_ =	sdelay $0x3  }
0x36: {  	p1 =	seq.s32 s10, $0x1;
	s10 =	sld [smem:$0x3FBA];
	_ =	sdelay $0x3  }
0x37: {  	[smem:$0x3FBA] =	sst s10  }
0x38: {  	s10 =	sld [smem:$0x3FBB]  }
0x39: {  	_ = 	snop;
	(pc) =	sbr.ind lr, $3  }
0x3a: {  	_ = 	snop  }
0x3b: {  	_ = 	snop  }
0x3c: {  	p2 =	seq.s32 s10, $0x1;
	s10 =	sld [smem:$0x3FBA]  }
0x3d: {  	_ =	shalt  }
0x3e: {  	_ =	shalt  }
0x3f: {  	_ =	shalt  }
0x40: {  	_ =	shalt  }
0x41: {  	_ =	shalt  }
0x42: {  	_ =	shalt  }
0x43: {  	_ =	shalt  }
0x44: {  	_ =	shalt  }
0x45: {  	_ =	shalt  }
0x46: {  	_ =	shalt  }
0x47: {  	_ =	shalt  }
0x48: {  	_ =	shalt  }
0x49: {  	_ =	shalt  }
0x4a: {  	_ =	shalt  }
0x4b: {  	_ =	shalt  }
0x4c: {  	_ =	shalt  }
0x4d: {  	_ =	shalt  }
0x4e: {  	_ =	shalt  }
0x4f: {  	_ =	shalt  }
0x50: {  	_ =	shalt  }
0x51: {  	_ =	shalt  }
0x52: {  	_ =	shalt  }
0x53: {  	_ =	shalt  }
0x54: {  	_ =	shalt  }
0x55: {  	_ =	shalt  }
0x56: {  	_ =	shalt  }
0x57: {  	_ =	shalt  }
0x58: {  	_ =	shalt  }
0x59: {  	_ =	shalt  }
0x5a: {  	_ =	shalt  }
0x5b: {  	_ =	shalt  }
0x5c: {  	_ =	shalt  }
0x5d: {  	_ =	shalt  }
0x5e: {  	_ =	shalt  }
0x5f: {  	_ =	shalt  }
0x60: {  	_ =	shalt  }
0x61: {  	_ =	shalt  }
0x62: {  	_ =	shalt  }
0x63: {  	_ =	shalt  }
0x64: {  	_ =	shalt  }
0x65: {  	_ =	shalt  }
0x66: {  	_ =	shalt  }
0x67: {  	_ =	shalt  }
0x68: {  	_ =	shalt  }
0x69: {  	_ =	shalt  }
0x6a: {  	_ =	shalt  }
0x6b: {  	_ =	shalt  }
0x6c: {  	_ =	shalt  }
0x6d: {  	_ =	shalt  }
0x6e: {  	_ =	shalt  }
0x6f: {  	_ =	shalt  }
0x70: {  	_ =	shalt  }
0x71: {  	_ =	shalt  }
0x72: {  	_ =	shalt  }
0x73: {  	_ =	shalt  }
0x74: {  	_ =	shalt  }
0x75: {  	_ =	shalt  }
0x76: {  	_ =	shalt  }
0x77: {  	_ =	shalt  }
0x78: {  	_ =	shalt  }
0x79: {  	_ =	shalt  }
0x7a: {  	_ =	shalt  }
0x7b: {  	_ =	shalt  }
0x7c: {  	_ =	shalt  }
0x7d: {  	_ =	shalt  }
0x7e: {  	_ =	shalt  }
0x7f: {  	_ =	shalt  }
0x80: {  	_ =	shalt  }
0x81: {  	_ =	shalt  }
0x82: {  	_ =	shalt  }
0x83: {  	_ =	shalt  }
0x84: {  	_ =	shalt  }
0x85: {  	_ =	shalt  }
0x86: {  	_ =	shalt  }
0x87: {  	_ =	shalt  }
.Lfunc_end0:
.L_simem_size_0:
called_computation_lowered:
.L_overlay_start_0:
0x88: {  	s2 =	sld [smem:$0x3FD9]  }
0x89: {  	s3 =	sld [smem:$0x3FFE];
	_ =	sdelay $0x1  }
0x8a: {  	s1 =	srdreg.scid  }
0x8b: {  	s0 =	sand.u32 $0x1, s1  }
0x8c: {  	s17 =	sshll.u32 s0, $0xA;
	s2 =	sadd.s32 s3, s2  }
0x8d: {  	s2 =	sadd.s32 s2, s17  }
0x8e: {  	[smem:$0x3FC6] =	sst s2  }
0x8f: {  	_ = 	snop  }
0x90: {  	s2 =	sld [smem:$0x3FC8]  }
0x91: {  	s18 =	sld [smem:$0x3FD0];
	(tm) =	ssettm $0x1  }
0x92: {  	s4 =	sld [smem:$0x3FFB];
	_ =	sdelay $0x3  }
0x93: {  	_ =	strace s4  }
0x94: {  	s4 =	sld [smem:$0x3FFC];
	_ =	sdelay $0x3  }
0x95: {  	_ =	strace s4  }
0x96: {  	s4 =	sld [smem:$0x3FFD];
	_ =	sdelay $0x3  }
0x97: {  	_ =	strace s4  }
0x98: {  	_ =	strace $0x8FFFFFFF  }
0x99: {  	s19 =	sld [smem:$0x3FDB];
	_ =	sdelay $0x1  }
0x9a: {  	s5 =	simm.s32 $_scs_section_size  }
0x9b: {  	s6 =	simm.s32 $_size__tile_overlayer_lowered;
	s7 =	simm.s32 $_tile_overlayer_lowered  }
0x9c: {  	s22 =	simm.s32 $0x1BFF;
	s21 =	sshll.u32 s7, $0x1;
	s4 =	sadd.s32 s5, s19  }
0x9d: {  	s8 =	simm.s32 $0x0;
	s20 =	sshll.u32 s6, $0x1;
	s6 =	sadd.s32 s21, s4  }
0x9e: {  	[timem:s8], [sflag:s22] =	dma.local [hbm:s6], s20  }
0x9f: {  	_ =	swait.ge [sflag:s22], s20  }
0xa0: {  	s5 =	ssub.s32 $0x0, s20;
	[sflag:s22] =	ssyncset.done $0x0  }
0xa1: {  	[sflag:s22] =	ssyncadd.s32 s5;
	_ =	sdelay $0x1  }
0xa2: {  	s23 =	simm.s32 $0x1B8B  }
0xa3: {  	_ =	swait.ge [sflag:s23], $0x1  }
0xa4: {  	[sflag:s23] =	ssyncset.done $0x0  }
0xa5: {  	s25 =	simm.s32 $0x1B8E;
	s24 =	sld [smem:$0x3FFE];
	[sflag:s23] =	ssyncadd.s32 $0xFFFFFFFF  }
0xa6: {  	s26 =	simm.s32 $execute0_lowered;
	[smem:$0x3FD2] =	sst s25  }
0xa7: {  	s6 =	sshll.u32 s26, $0x1;
	_ =	strace $0x80000046;
	[dreg:$0x1] =	wrdreg $0xFFFFFFFF  }
0xa8: {  	s28 =	simm.s32 $_size_execute0_lowered;
	s4 =	sadd.s32 s4, s6;
	[dreg:$0x0] =	wrdreg $0x0  }
0xa9: {  	s6 =	sshll.u32 s28, $0x1;
	[dreg:$0x2] =	wrdreg s4  }
0xaa: {  	[dreg:$0x3] =	wrdreg s6  }
0xab: {  	[dreg:$0x4] =	wrdreg $0xC0  }
0xac: {  	_ =	task [dreg:s8], $0x5FFFF  }
0xad: {  	[dreg:$0x1] =	wrdreg $0xFFFFFFFF  }
0xae: {  	[dreg:$0x0] =	wrdreg $0x60  }
0xaf: {  	[dreg:$0x2] =	wrdreg s24  }
0xb0: {  	[dreg:$0x3] =	wrdreg s2  }
0xb1: {  	[dreg:$0x4] =	wrdreg s18  }
0xb2: {  	[dreg:$0x5] =	wrdreg $0x9  }
0xb3: {  	_ =	task.clear_ibuf [dreg:s8], $0x6FFFF;
	_ =	strace $0x90000046  }
0xb4: {  	s29 =	simm.s32 $0x9;
	_ =	strace $0x80000048  }
0xb5: {  	_ =	swait.ge [sflag:s29], $0x1  }
0xb6: {  	[sflag:s29] =	ssyncadd.s32 $0xFFFFFFFF  }
0xb7: {  	_ =	strace $0x90000048  }
0xb8: {  	_ =	sfence  }
0xb9: {  	s30 =	sld [smem:$0x0];
	_ =	sdelay $0x2  }
0xba: {  	s31 =	sshll.u32 s1, $0xD;
	s1 =	sshrl.u32 s1, $0x2  }
0xbb: {  	s3 =	sand.u32 $0x4000, s31;
	s1 =	sadd.s32 s1, s30  }
0xbc: {  	s0 =	sor.u32 s3, s0;
	s1 =	sshll.u32 s1, $0x11  }
0xbd: {  	s0 =	sor.u32 s1, s0  }
0xbe: {  	s0 =	sadd.s32 $0x8F2B, s0  }
0xbf: {  	[sflag:s0] =	ssyncadd.remote.s32 $0x1  }
0xc0: {  	_ =	sfence.sel $0xFFFF  }
0xc1: {  	[dreg:$0x0] =	wrdreg $0xFFFFFFFF;
	(pc) =	sbr.abs _section_cstart, $3  }
0xc2: {  	[dreg:$0x1] =	wrdreg $0xFFFFFFFF  }
0xc3: {  	_ =	task.clear_ibuf [dreg:s8], $0x2FFFF;
	_ =	strace $0x9FFFFFFF  }
0xc4: {  	(tm) =	ssettm $0x7FFFFFFF  }
0xc5: {  	_ =	shalt  }
tec
execute0_lowered:
.L_overlay_start_1:
0x0: {  	(tag) =	ssettag $0x1  }
0x1: {  	s0 =	rddreg [dreg:$0x0]  }
0x2: {  	s1 =	srdreg.scid;
	s8 =	stileid.u32  }
0x3: {  	s2 =	rddreg [dreg:$0x1];
	s1 =	sand.u32 $0x1, s1;
	s3 =	sshll.u32 s8, $0x1  }
0x4: {  	s9 =	rddreg [dreg:$0x2];
	s4 =	simm.s32 $0x0;
	s3 =	sor.u32 s1, s3  }
0x5: {  	[smem:$0x7FF] =	sst s4;
	s6 =	sshll.u32 s3, $0x4  }
0x6: {  	s25 =	sshll.u32 s8, $0xF;
	s5 =	ssub.s32 $0x2, s1;
	s0 =	sadd.s32 s6, s0  }
0x7: {  	_ =	strace $0x80000047;
	s7 =	sshrl.u32 s5, $0x1;
	s6 =	sadd.s32 $0x400, s0  }
0x8: {  	s5 =	ssub.s32 s5, s7;
	s0 =	sadd.s32 $0xE00, s0;
	[dreg:$0x4] =	wrdreg s6  }
0x9: {  	s3 =	sshll.u32 s3, $0xB;
	s8 =	smax.u32 s5, $0x1;
	[dreg:$0x5] =	wrdreg s0  }
0xa: {  	s6 =	sadd.s32 s9, s3;
	[dreg:$0x11] =	wrdreg s8  }
0xb: {  	s31 =	simm.s32 $0x80;
	s18 =	sadd.s32 $0x10000, s6;
	[dreg:$0x6] =	wrdreg s6  }
0xc: {  	s28 =	simm.s32 $0x5;
	s19 =	sadd.s32 $0x20000, s6;
	[dreg:$0x7] =	wrdreg s18  }
0xd: {  	s29 =	simm.s32 $0xB;
	s20 =	sadd.s32 $0x30000, s6;
	[dreg:$0x8] =	wrdreg s19  }
0xe: {  	s30 =	simm.s32 $0x6;
	s21 =	sadd.s32 $0x40000, s6;
	[dreg:$0x9] =	wrdreg s20  }
0xf: {  	s1 =	sshll.u32 s1, $0xE;
	s22 =	sadd.s32 $0x50000, s6;
	[dreg:$0xa] =	wrdreg s21  }
0x10: {  	s0 =	sor.u32 s1, s25;
	s23 =	sadd.s32 $0x60000, s6;
	[dreg:$0xb] =	wrdreg s22  }
0x11: {  	s24 =	sadd.s32 $0x2A0000, s6;
	s3 =	sadd.s32 $0x2B0000, s6;
	[dreg:$0xc] =	wrdreg s23  }
0x12: {  	s26 =	sadd.s32 $0x2C0000, s6;
	s7 =	sadd.s32 $0x2D0000, s6;
	[dreg:$0xd] =	wrdreg s24  }
0x13: {  	s10 =	sor.u32 $0x580000, s0;
	s11 =	sor.u32 $0x500000, s0;
	[dreg:$0xe] =	wrdreg s3  }
0x14: {  	s12 =	sor.u32 $0x480000, s0;
	s16 =	sor.u32 $0x400000, s0;
	[dreg:$0xf] =	wrdreg s26  }
0x15: {  	s17 =	sor.u32 $0x680000, s0;
	s25 =	sadd.s32 $0x300000, s6;
	[dreg:$0x10] =	wrdreg s7  }
0x16: {  	s1 =	sshrl.u32 s10, $0x3;
	s13 =	sshrl.u32 s11, $0x3;
	s14 =	sshrl.u32 s12, $0x3  }
0x17: {  	s18 =	sor.u32 $0x600000, s0;
	s0 =	sor.u32 $0x380000, s0;
	[dreg:$0x1b] =	wrdreg s25  }
0x18: {  	s19 =	sshrl.u32 s17, $0x3;
	s23 =	sadd.s32 $0x2E0000, s6;
	[dreg:$0x16] =	wrdreg s0  }
0x19: {  	s24 =	sadd.s32 $0x2F0000, s6;
	s26 =	sadd.s32 $0x310000, s6;
	[dreg:$0x19] =	wrdreg s23  }
0x1a: {  	s11 =	simm.s32 $0xC;
	s7 =	simm.s32 $0x7;
	[dreg:$0x1a] =	wrdreg s24  }
0x1b: {  	s3 =	simm.s32 $0x0;
	s1 =	sadd.s32 s1, s9;
	[dreg:$0x1c] =	wrdreg s26  }
0x1c: {  	s15 =	sadd.s32 s14, s9;
	s20 =	sshrl.u32 s18, $0x3;
	[dreg:$0x12] =	wrdreg s1  }
0x1d: {  	s21 =	sadd.s32 s19, s9;
	s18 =	simm.s32 $0x9;
	[dreg:$0x14] =	wrdreg s15  }
0x1e: {  	s0 =	simm.s32 $0x4;
	s1 =	sadd.s32 s13, s9;
	[dreg:$0x17] =	wrdreg s21  }
0x1f: {  	s22 =	sadd.s32 s20, s9;
	[dreg:$0x13] =	wrdreg s1;
	s1 =	sshrl.u32 s16, $0x3  }
0x20: {  	s26 =	simm.s32 $0xA;
	[dreg:$0x18] =	wrdreg s22;
	s1 =	sadd.s32 s1, s9  }
0x21: {  	s19 =	simm.s32 $0xD;
	s20 =	simm.s32 $0xE;
	[dreg:$0x15] =	wrdreg s1  }
.LBB2_1:
0x22: {  	[dreg:$0x1d] =	wrdreg s3  }
0x23: {  	s1 =	rddreg [dreg:$0x4];
	s10 =	simm.s32 $0x1000;
	s5 =	simm.s32 $0xF  }
0x24: {  	[tilespmem:s4], [sflag:$0xF] =	stream.strided.gather [hbm4b:s1+s31], $0x280, s10, s31, $0x38;
	[tilespmem:$0x1DC00] =	vst v63  }
0x25: {  	_ =	swait.ge [sflag:s5], $0x280  }
0x26: {  	[sflag:s5] =	ssyncset.done $0x0  }
0x27: {  	s6 =	simm.s32 $0x1C00;
	[sflag:s5] =	ssyncadd.s32 $0xFFFFFD80  }
0x28: {  	[tilespmem:s6], [sflag:$0x1] =	stream.indirect.gather [hbm4b:s2+s31], $0x80, s4, s31, $0xb8;
	[tilespmem:$0x1DC00] =	vst v63  }
0x29: {  	s12 =	simm.s32 $0x5C00  }
0x2a: {  	[tilespmem:s12], [sflag:$0x2] =	stream.indirect.gather [hbm4b:s2+s31], $0x80, s31, s31, $0xb8;
	[tilespmem:$0x1DC00] =	vst v63  }
0x2b: {  	s13 =	simm.s32 $0x100;
	s14 =	simm.s32 $0x9C00  }
0x2c: {  	[tilespmem:s14], [sflag:$0x3] =	stream.indirect.gather [hbm4b:s2+s31], $0x80, s13, s31, $0xb8;
	[tilespmem:$0x1DC00] =	vst v63  }
0x2d: {  	s15 =	simm.s32 $0x180;
	s13 =	simm.s32 $0xDC00  }
0x2e: {  	[tilespmem:s13], [sflag:$0x4] =	stream.indirect.gather [hbm4b:s2+s31], $0x80, s15, s31, $0xb8;
	[tilespmem:$0x1DC00] =	vst v63  }
0x2f: {  	s16 =	simm.s32 $0x200;
	s15 =	simm.s32 $0x11C00  }
0x30: {  	[tilespmem:s15], [sflag:$0x5] =	stream.indirect.gather [hbm4b:s2+s31], $0x80, s16, s31, $0xb8;
	[tilespmem:$0x1DC00] =	vst v63  }
0x31: {  	s8 =	simm.s32 $0x280;
	s17 =	rddreg [dreg:$0x5]  }
0x32: {  	[tilespmem:s8], [sflag:$0xF] =	stream.strided.gather [hbm4b:s17+s31], $0x1680, s10, s31, $0x38;
	[tilespmem:$0x1DC00] =	vst v63  }
0x33: {  	_ =	swait.ge [sflag:s5], $0x1680  }
0x34: {  	[sflag:s5] =	ssyncset.done $0x0  }
0x35: {  	s3 =	simm.s32 $0x1;
	s16 =	simm.s32 $0x15C00;
	[sflag:s5] =	ssyncadd.s32 $0xFFFFE980  }
0x36: {  	[tilespmem:s16], [sflag:$0x6] =	stream.indirect.gather [hbm4b:s2+s31], $0x80, s8, s31, $0xb8;
	[tilespmem:$0x1DC00] =	vst v63  }
0x37: {  	_ =	swait.ge [sflag:s3], $0x4000  }
0x38: {  	[sflag:s3] =	ssyncset.done $0x0  }
0x39: {  	s21 =	rddreg [dreg:$0x6];
	[sflag:s3] =	ssyncadd.s32 $0xFFFFC000  }
0x3a: {  	[hbm4b:s21+s4] =	stream.linear.scatter [tilespmem:s6], [sflag:$0x8], $0x4000, $0x38;
	[tilespmem:$0x1DC00] =	vst v63  }
0x3b: {  	s22 =	simm.s32 $0x300;
	s5 =	simm.s32 $0x19C00;
	s8 =	simm.s32 $0x2  }
0x3c: {  	[tilespmem:s5], [sflag:$0x7] =	stream.indirect.gather [hbm4b:s2+s31], $0x80, s22, s31, $0xb8;
	[tilespmem:$0x1DC00] =	vst v63  }
0x3d: {  	_ =	swait.ge [sflag:s8], $0x4000  }
0x3e: {  	[sflag:s8] =	ssyncset.done $0x0  }
0x3f: {  	s17 =	simm.s32 $0x8;
	s23 =	rddreg [dreg:$0x7];
	[sflag:s8] =	ssyncadd.s32 $0xFFFFC000  }
0x40: {  	[hbm4b:s23+s4] =	stream.linear.scatter [tilespmem:s12], [sflag:$0x9], $0x4000, $0x38;
	[tilespmem:$0x1DC00] =	vst v63  }
0x41: {  	_ =	swait.ge [sflag:s17], $0x4000  }
0x42: {  	[sflag:s17] =	ssyncset.done $0x0  }
0x43: {  	s24 =	simm.s32 $0x380;
	s21 =	simm.s32 $0x3;
	[sflag:s17] =	ssyncadd.s32 $0xFFFFC000  }
0x44: {  	[tilespmem:s6], [sflag:$0x1] =	stream.indirect.gather [hbm4b:s2+s31], $0x80, s24, s31, $0xb8;
	[tilespmem:$0x1DC00] =	vst v63  }
0x45: {  	_ =	swait.ge [sflag:s21], $0x4000  }
0x46: {  	[sflag:s21] =	ssyncset.done $0x0  }
0x47: {  	s25 =	rddreg [dreg:$0x8];
	[sflag:s21] =	ssyncadd.s32 $0xFFFFC000  }
0x48: {  	[hbm4b:s25+s4] =	stream.linear.scatter [tilespmem:s14], [sflag:$0xA], $0x4000, $0x38;
	[tilespmem:$0x1DC00] =	vst v63  }
0x49: {  	_ =	swait.ge [sflag:s18], $0x4000  }
0x4a: {  	[sflag:s18] =	ssyncset.done $0x0  }
0x4b: {  	s10 =	simm.s32 $0x400;
	[sflag:s18] =	ssyncadd.s32 $0xFFFFC000  }
0x4c: {  	[tilespmem:s12], [sflag:$0x2] =	stream.indirect.gather [hbm4b:s2+s31], $0x80, s10, s31, $0xb8;
	[tilespmem:$0x1DC00] =	vst v63  }
0x4d: {  	_ =	swait.ge [sflag:s0], $0x4000  }
0x4e: {  	[sflag:s0] =	ssyncset.done $0x0  }
0x4f: {  	s22 =	rddreg [dreg:$0x9];
	[sflag:s0] =	ssyncadd.s32 $0xFFFFC000  }
0x50: {  	[hbm4b:s22+s4] =	stream.linear.scatter [tilespmem:s13], [sflag:$0xB], $0x4000, $0x38;
	[tilespmem:$0x1DC00] =	vst v63  }
0x51: {  	_ =	swait.ge [sflag:s26], $0x4000  }
0x52: {  	[sflag:s26] =	ssyncset.done $0x0  }
0x53: {  	s23 =	simm.s32 $0x480;
	[sflag:s26] =	ssyncadd.s32 $0xFFFFC000  }
0x54: {  	[tilespmem:s14], [sflag:$0x3] =	stream.indirect.gather [hbm4b:s2+s31], $0x80, s23, s31, $0xb8;
	[tilespmem:$0x1DC00] =	vst v63  }
0x55: {  	_ =	swait.ge [sflag:s28], $0x4000  }
0x56: {  	[sflag:s28] =	ssyncset.done $0x0  }
0x57: {  	s24 =	rddreg [dreg:$0xa];
	[sflag:s28] =	ssyncadd.s32 $0xFFFFC000  }
0x58: {  	[hbm4b:s24+s4] =	stream.linear.scatter [tilespmem:s15], [sflag:$0xC], $0x4000, $0x38;
	[tilespmem:$0x1DC00] =	vst v63  }
0x59: {  	_ =	swait.ge [sflag:s29], $0x4000  }
0x5a: {  	[sflag:s29] =	ssyncset.done $0x0  }
0x5b: {  	s25 =	simm.s32 $0x500;
	[sflag:s29] =	ssyncadd.s32 $0xFFFFC000  }
0x5c: {  	[tilespmem:s13], [sflag:$0x4] =	stream.indirect.gather [hbm4b:s2+s31], $0x80, s25, s31, $0xb8;
	[tilespmem:$0x1DC00] =	vst v63  }
0x5d: {  	_ =	swait.ge [sflag:s30], $0x4000  }
0x5e: {  	[sflag:s30] =	ssyncset.done $0x0  }
0x5f: {  	s10 =	rddreg [dreg:$0xb];
	[sflag:s30] =	ssyncadd.s32 $0xFFFFC000  }
0x60: {  	[hbm4b:s10+s4] =	stream.linear.scatter [tilespmem:s16], [sflag:$0xD], $0x4000, $0x38;
	[tilespmem:$0x1DC00] =	vst v63  }
0x61: {  	_ =	swait.ge [sflag:s11], $0x4000  }
0x62: {  	[sflag:s11] =	ssyncset.done $0x0  }
0x63: {  	s22 =	simm.s32 $0x580;
	[sflag:s11] =	ssyncadd.s32 $0xFFFFC000  }
0x64: {  	[tilespmem:s15], [sflag:$0x5] =	stream.indirect.gather [hbm4b:s2+s31], $0x80, s22, s31, $0xb8;
	[tilespmem:$0x1DC00] =	vst v63  }
0x65: {  	_ =	swait.ge [sflag:s7], $0x4000  }
0x66: {  	[sflag:s7] =	ssyncset.done $0x0  }
0x67: {  	s23 =	rddreg [dreg:$0xc];
	[sflag:s7] =	ssyncadd.s32 $0xFFFFC000  }
0x68: {  	[hbm4b:s23+s4] =	stream.linear.scatter [tilespmem:s5], [sflag:$0xE], $0x4000, $0x38;
	[tilespmem:$0x1DC00] =	vst v63  }
0x69: {  	_ =	swait.ge [sflag:s19], $0x4000  }
0x6a: {  	[sflag:s19] =	ssyncset.done $0x0  }
0x6b: {  	s24 =	simm.s32 $0x600;
	[sflag:s19] =	ssyncadd.s32 $0xFFFFC000  }
0x6c: {  	[tilespmem:s16], [sflag:$0x6] =	stream.indirect.gather [hbm4b:s2+s31], $0x80, s24, s31, $0xb8;
	[tilespmem:$0x1DC00] =	vst v63  }
0x6d: {  	_ =	swait.ge [sflag:s3], $0x4000  }
0x6e: {  	s10 =	rddreg [dreg:$0x16]  }
0x6f: {  	[sflag:s3] =	ssyncset.done $0x0;
	s25 =	sshrl.u32 s10, $0x3  }
0x70: {  	[sflag:s3] =	ssyncadd.s32 $0xFFFFC000;
	s1 =	sadd.s32 s9, s25  }
0x71: {  	[hbm4b:s1+s4] =	stream.linear.scatter [tilespmem:s6], [sflag:$0x8], $0x4000, $0x38;
	[tilespmem:$0x1DC00] =	vst v63  }
0x72: {  	_ =	swait.ge [sflag:s20], $0x4000  }
0x73: {  	[sflag:s20] =	ssyncset.done $0x0  }
0x74: {  	s3 =	simm.s32 $0x680;
	[sflag:s20] =	ssyncadd.s32 $0xFFFFC000  }
0x75: {  	[tilespmem:s5], [sflag:$0x7] =	stream.indirect.gather [hbm4b:s2+s31], $0x80, s3, s31, $0xb8;
	[tilespmem:$0x1DC00] =	vst v63  }
0x76: {  	_ =	swait.ge [sflag:s8], $0x4000  }
0x77: {  	[sflag:s8] =	ssyncset.done $0x0  }
0x78: {  	[sflag:s8] =	ssyncadd.s32 $0xFFFFC000;
	s8 =	rddreg [dreg:$0x15]  }
0x79: {  	[hbm4b:s8+s4] =	stream.linear.scatter [tilespmem:s12], [sflag:$0x9], $0x4000, $0x38;
	[tilespmem:$0x1DC00] =	vst v63  }
0x7a: {  	_ =	swait.ge [sflag:s17], $0x4000  }
0x7b: {  	[sflag:s17] =	ssyncset.done $0x0  }
0x7c: {  	[sflag:s17] =	ssyncadd.s32 $0xFFFFC000;
	s17 =	simm.s32 $0x700  }
0x7d: {  	[tilespmem:s6], [sflag:$0x1] =	stream.indirect.gather [hbm4b:s2+s31], $0x80, s17, s31, $0xb8;
	[tilespmem:$0x1DC00] =	vst v63  }
0x7e: {  	_ =	swait.ge [sflag:s21], $0x4000  }
0x7f: {  	[sflag:s21] =	ssyncset.done $0x0  }
0x80: {  	[sflag:s21] =	ssyncadd.s32 $0xFFFFC000;
	s21 =	rddreg [dreg:$0x14]  }
0x81: {  	[hbm4b:s21+s4] =	stream.linear.scatter [tilespmem:s14], [sflag:$0xA], $0x4000, $0x38;
	[tilespmem:$0x1DC00] =	vst v63  }
0x82: {  	_ =	swait.ge [sflag:s18], $0x4000  }
0x83: {  	[sflag:s18] =	ssyncset.done $0x0  }
0x84: {  	s25 =	simm.s32 $0x780;
	[sflag:s18] =	ssyncadd.s32 $0xFFFFC000  }
0x85: {  	[tilespmem:s12], [sflag:$0x2] =	stream.indirect.gather [hbm4b:s2+s31], $0x80, s25, s31, $0xb8;
	[tilespmem:$0x1DC00] =	vst v63  }
0x86: {  	_ =	swait.ge [sflag:s0], $0x4000  }
0x87: {  	[sflag:s0] =	ssyncset.done $0x0  }
0x88: {  	s5 =	rddreg [dreg:$0x13];
	[sflag:s0] =	ssyncadd.s32 $0xFFFFC000  }
0x89: {  	[hbm4b:s5+s4] =	stream.linear.scatter [tilespmem:s13], [sflag:$0xB], $0x4000, $0x38;
	[tilespmem:$0x1DC00] =	vst v63  }
0x8a: {  	_ =	swait.ge [sflag:s26], $0x4000  }
0x8b: {  	[sflag:s26] =	ssyncset.done $0x0  }
0x8c: {  	s3 =	simm.s32 $0x800;
	[sflag:s26] =	ssyncadd.s32 $0xFFFFC000  }
0x8d: {  	[tilespmem:s14], [sflag:$0x3] =	stream.indirect.gather [hbm4b:s2+s31], $0x80, s3, s31, $0xb8;
	[tilespmem:$0x1DC00] =	vst v63  }
0x8e: {  	_ =	swait.ge [sflag:s28], $0x4000  }
0x8f: {  	[sflag:s28] =	ssyncset.done $0x0  }
0x90: {  	s3 =	rddreg [dreg:$0x12];
	[sflag:s28] =	ssyncadd.s32 $0xFFFFC000  }
0x91: {  	[hbm4b:s3+s4] =	stream.linear.scatter [tilespmem:s15], [sflag:$0xC], $0x4000, $0x38;
	[tilespmem:$0x1DC00] =	vst v63  }
0x92: {  	_ =	swait.ge [sflag:s29], $0x4000  }
0x93: {  	[sflag:s29] =	ssyncset.done $0x0  }
0x94: {  	s12 =	simm.s32 $0x880;
	[sflag:s29] =	ssyncadd.s32 $0xFFFFC000  }
0x95: {  	[tilespmem:s13], [sflag:$0x4] =	stream.indirect.gather [hbm4b:s2+s31], $0x80, s12, s31, $0xb8;
	[tilespmem:$0x1DC00] =	vst v63  }
0x96: {  	_ =	swait.ge [sflag:s30], $0x4000  }
0x97: {  	[sflag:s30] =	ssyncset.done $0x0  }
0x98: {  	s14 =	rddreg [dreg:$0x18];
	[sflag:s30] =	ssyncadd.s32 $0xFFFFC000  }
0x99: {  	[hbm4b:s14+s4] =	stream.linear.scatter [tilespmem:s16], [sflag:$0xD], $0x4000, $0x38;
	[tilespmem:$0x1DC00] =	vst v63  }
0x9a: {  	s22 =	simm.s32 $0xE00;
	s1 =	sadd.s32 $0x70000, s21;
	_ =	swait.ge [sflag:s11], $0x4000  }
0x9b: {  	s21 =	sadd.s32 $0x70000, s8;
	s25 =	sadd.s32 $0x380000, s10;
	[sflag:s11] =	ssyncset.done $0x0  }
0x9c: {  	s10 =	smov.u32 s9;
	s16 =	simm.s32 $0x900;
	[sflag:s11] =	ssyncadd.s32 $0xFFFFC000  }
0x9d: {  	[tilespmem:s15], [sflag:$0x5] =	stream.indirect.gather [hbm4b:s2+s31], $0x80, s16, s31, $0xb8;
	[tilespmem:$0x1DC00] =	vst v63  }
0x9e: {  	s5 =	sadd.s32 $0x70000, s5;
	s3 =	sadd.s32 $0x70000, s3;
	_ =	swait.ge [sflag:s7], $0x4000  }
0x9f: {  	s23 =	sadd.s32 $0x70000, s14;
	s17 =	rddreg [dreg:$0x17];
	[sflag:s7] =	ssyncset.done $0x0  }
0xa0: {  	s24 =	sadd.s32 $0x70000, s17;
	[sflag:s7] =	ssyncadd.s32 $0xFFFFC000;
	s6 =	smov.u32 s17  }
.LBB2_2:
0xa1: {  	s13 =	simm.s32 $0x19C00  }
0xa2: {  	[hbm4b:s6+s4] =	stream.linear.scatter [tilespmem:s13], [sflag:$0xE], $0x4000, $0x38;
	[tilespmem:$0x1DC00] =	vst v63  }
0xa3: {  	s8 =	smov.u32 s22;
	s6 =	smov.u32 s24  }
0xa4: {  	p0 =	sne.s32 s22, $0x3800;
	s22 =	sadd.s32 $0xE00, s22;
	_ =	swait.ge [sflag:s19], $0x4000  }
0xa5: {  	s17 =	simm.s32 $0x15C00;
	s8 =	sshra.s32 s8, $0x2;
	[sflag:s19] =	ssyncset.done $0x0  }
0xa6: {  	s12 =	simm.s32 $0x1;
	s9 =	sadd.s32 $0x600, s8;
	[sflag:s19] =	ssyncadd.s32 $0xFFFFC000  }
0xa7: {  	[tilespmem:s17], [sflag:$0x6] =	stream.indirect.gather [hbm4b:s2+s31], $0x80, s9, s31, $0xb8;
	[tilespmem:$0x1DC00] =	vst v63  }
0xa8: {  	_ =	swait.ge [sflag:s12], $0x4000  }
0xa9: {  	s9 =	sshrl.u32 s25, $0x3;
	[sflag:s12] =	ssyncset.done $0x0  }
0xaa: {  	s9 =	sadd.s32 s10, s9;
	[sflag:s12] =	ssyncadd.s32 $0xFFFFC000;
	s12 =	simm.s32 $0x1C00  }
0xab: {  	[hbm4b:s9+s4] =	stream.linear.scatter [tilespmem:s12], [sflag:$0x8], $0x4000, $0x38;
	[tilespmem:$0x1DC00] =	vst v63  }
0xac: {  	_ =	swait.ge [sflag:s20], $0x4000  }
0xad: {  	[sflag:s20] =	ssyncset.done $0x0  }
0xae: {  	s9 =	sadd.s32 $0x680, s8;
	[sflag:s20] =	ssyncadd.s32 $0xFFFFC000  }
0xaf: {  	[tilespmem:s13], [sflag:$0x7] =	stream.indirect.gather [hbm4b:s2+s31], $0x80, s9, s31, $0xb8;
	[tilespmem:$0x1DC00] =	vst v63  }
0xb0: {  	s9 =	simm.s32 $0x2  }
0xb1: {  	_ =	swait.ge [sflag:s9], $0x4000  }
0xb2: {  	[sflag:s9] =	ssyncset.done $0x0  }
0xb3: {  	s14 =	simm.s32 $0x5C00;
	[sflag:s9] =	ssyncadd.s32 $0xFFFFC000;
	s9 =	simm.s32 $0x8  }
0xb4: {  	[hbm4b:s21+s4] =	stream.linear.scatter [tilespmem:s14], [sflag:$0x9], $0x4000, $0x38;
	[tilespmem:$0x1DC00] =	vst v63  }
0xb5: {  	_ =	swait.ge [sflag:s9], $0x4000  }
0xb6: {  	[sflag:s9] =	ssyncset.done $0x0  }
0xb7: {  	[sflag:s9] =	ssyncadd.s32 $0xFFFFC000;
	s9 =	sadd.s32 $0x700, s8  }
0xb8: {  	[tilespmem:s12], [sflag:$0x1] =	stream.indirect.gather [hbm4b:s2+s31], $0x80, s9, s31, $0xb8;
	[tilespmem:$0x1DC00] =	vst v63  }
0xb9: {  	s9 =	simm.s32 $0x3  }
0xba: {  	_ =	swait.ge [sflag:s9], $0x4000  }
0xbb: {  	[sflag:s9] =	ssyncset.done $0x0  }
0xbc: {  	s13 =	simm.s32 $0x9C00;
	[sflag:s9] =	ssyncadd.s32 $0xFFFFC000  }
0xbd: {  	[hbm4b:s1+s4] =	stream.linear.scatter [tilespmem:s13], [sflag:$0xA], $0x4000, $0x38;
	[tilespmem:$0x1DC00] =	vst v63  }
0xbe: {  	_ =	swait.ge [sflag:s18], $0x4000  }
0xbf: {  	[sflag:s18] =	ssyncset.done $0x0  }
0xc0: {  	s12 =	simm.s32 $0x5C00;
	s9 =	sadd.s32 $0x780, s8;
	[sflag:s18] =	ssyncadd.s32 $0xFFFFC000  }
0xc1: {  	[tilespmem:s14], [sflag:$0x2] =	stream.indirect.gather [hbm4b:s2+s31], $0x80, s9, s31, $0xb8;
	[tilespmem:$0x1DC00] =	vst v63  }
0xc2: {  	_ =	swait.ge [sflag:s0], $0x4000  }
0xc3: {  	[sflag:s0] =	ssyncset.done $0x0  }
0xc4: {  	s15 =	simm.s32 $0xDC00;
	[sflag:s0] =	ssyncadd.s32 $0xFFFFC000  }
0xc5: {  	[hbm4b:s5+s4] =	stream.linear.scatter [tilespmem:s15], [sflag:$0xB], $0x4000, $0x38;
	[tilespmem:$0x1DC00] =	vst v63  }
0xc6: {  	_ =	swait.ge [sflag:s26], $0x4000  }
0xc7: {  	[sflag:s26] =	ssyncset.done $0x0  }
0xc8: {  	s9 =	sadd.s32 $0x800, s8;
	s14 =	simm.s32 $0x9C00;
	[sflag:s26] =	ssyncadd.s32 $0xFFFFC000  }
0xc9: {  	[tilespmem:s13], [sflag:$0x3] =	stream.indirect.gather [hbm4b:s2+s31], $0x80, s9, s31, $0xb8;
	[tilespmem:$0x1DC00] =	vst v63  }
0xca: {  	_ =	swait.ge [sflag:s28], $0x4000  }
0xcb: {  	[sflag:s28] =	ssyncset.done $0x0  }
0xcc: {  	s16 =	simm.s32 $0x11C00;
	[sflag:s28] =	ssyncadd.s32 $0xFFFFC000  }
0xcd: {  	[hbm4b:s3+s4] =	stream.linear.scatter [tilespmem:s16], [sflag:$0xC], $0x4000, $0x38;
	[tilespmem:$0x1DC00] =	vst v63  }
0xce: {  	_ =	swait.ge [sflag:s29], $0x4000  }
0xcf: {  	[sflag:s29] =	ssyncset.done $0x0  }
0xd0: {  	s9 =	sadd.s32 $0x880, s8;
	s13 =	simm.s32 $0xDC00;
	[sflag:s29] =	ssyncadd.s32 $0xFFFFC000  }
0xd1: {  	[tilespmem:s15], [sflag:$0x4] =	stream.indirect.gather [hbm4b:s2+s31], $0x80, s9, s31, $0xb8;
	[tilespmem:$0x1DC00] =	vst v63  }
0xd2: {  	_ =	swait.ge [sflag:s30], $0x4000  }
0xd3: {  	[sflag:s30] =	ssyncset.done $0x0  }
0xd4: {  	[sflag:s30] =	ssyncadd.s32 $0xFFFFC000  }
0xd5: {  	[hbm4b:s23+s4] =	stream.linear.scatter [tilespmem:s17], [sflag:$0xD], $0x4000, $0x38;
	[tilespmem:$0x1DC00] =	vst v63  }
0xd6: {  	_ =	swait.ge [sflag:s11], $0x4000  }
0xd7: {  	s8 =	sadd.s32 $0x900, s8;
	s23 =	sadd.s32 $0x70000, s23;
	[sflag:s11] =	ssyncset.done $0x0  }
.Ltmp0:
0xd8: {  	s9 =	simm.s32 $0x11C00;
	[sflag:s11] =	ssyncadd.s32 $0xFFFFC000;
	(pc) =	sbr.rel @p0 .LBB2_2-.Ltmp0, $4  }
0xd9: {  	[tilespmem:s16], [sflag:$0x5] =	stream.indirect.gather [hbm4b:s2+s31], $0x80, s8, s31, $0xb8;
	[tilespmem:$0x1DC00] =	vst v63  }
0xda: {  	s24 =	sadd.s32 $0x70000, s24;
	s25 =	sadd.s32 $0x380000, s25;
	_ =	swait.ge [sflag:s7], $0x4000  }
0xdb: {  	s21 =	sadd.s32 $0x70000, s21;
	s1 =	sadd.s32 $0x70000, s1;
	[sflag:s7] =	ssyncset.done $0x0  }
0xdc: {  	s5 =	sadd.s32 $0x70000, s5;
	s3 =	sadd.s32 $0x70000, s3;
	[sflag:s7] =	ssyncadd.s32 $0xFFFFC000  }
0xdd: {  	s8 =	simm.s32 $0x19C00  }
0xde: {  	[hbm4b:s6+s4] =	stream.linear.scatter [tilespmem:s8], [sflag:$0xE], $0x4000, $0x38;
	[tilespmem:$0x1DC00] =	vst v63  }
0xdf: {  	_ =	swait.ge [sflag:s19], $0x4000  }
0xe0: {  	s5 =	simm.s32 $0x15C00;
	[sflag:s19] =	ssyncset.done $0x0  }
0xe1: {  	s1 =	simm.s32 $0x1780;
	s6 =	simm.s32 $0x1;
	[sflag:s19] =	ssyncadd.s32 $0xFFFFC000  }
0xe2: {  	[tilespmem:s5], [sflag:$0x6] =	stream.indirect.gather [hbm4b:s2+s31], $0x80, s1, s31, $0xb8;
	[tilespmem:$0x1DC00] =	vst v63  }
0xe3: {  	_ =	swait.ge [sflag:s6], $0x4000  }
0xe4: {  	[sflag:s6] =	ssyncset.done $0x0  }
0xe5: {  	s3 =	simm.s32 $0x1C00;
	s17 =	rddreg [dreg:$0xd];
	[sflag:s6] =	ssyncadd.s32 $0xFFFFC000  }
0xe6: {  	[hbm4b:s17+s4] =	stream.linear.scatter [tilespmem:s3], [sflag:$0x8], $0x4000, $0x38;
	[tilespmem:$0x1DC00] =	vst v63  }
0xe7: {  	_ =	swait.ge [sflag:s20], $0x4000  }
0xe8: {  	[sflag:s20] =	ssyncset.done $0x0  }
0xe9: {  	s21 =	simm.s32 $0x1800;
	s22 =	simm.s32 $0x2;
	[sflag:s20] =	ssyncadd.s32 $0xFFFFC000  }
0xea: {  	[tilespmem:s8], [sflag:$0x7] =	stream.indirect.gather [hbm4b:s2+s31], $0x80, s21, s31, $0xb8;
	[tilespmem:$0x1DC00] =	vst v63  }
0xeb: {  	_ =	swait.ge [sflag:s22], $0x4000  }
0xec: {  	[sflag:s22] =	ssyncset.done $0x0  }
0xed: {  	s23 =	rddreg [dreg:$0xe];
	[sflag:s22] =	ssyncadd.s32 $0xFFFFC000  }
0xee: {  	[hbm4b:s23+s4] =	stream.linear.scatter [tilespmem:s12], [sflag:$0x9], $0x4000, $0x38;
	[tilespmem:$0x1DC00] =	vst v63  }
0xef: {  	s12 =	simm.s32 $0x8  }
0xf0: {  	_ =	swait.ge [sflag:s12], $0x4000  }
0xf1: {  	[sflag:s12] =	ssyncset.done $0x0  }
0xf2: {  	s24 =	simm.s32 $0x1880;
	s25 =	simm.s32 $0x3;
	[sflag:s12] =	ssyncadd.s32 $0xFFFFC000  }
0xf3: {  	[tilespmem:s3], [sflag:$0x1] =	stream.indirect.gather [hbm4b:s2+s31], $0x80, s24, s31, $0xb8;
	[tilespmem:$0x1DC00] =	vst v63  }
0xf4: {  	_ =	swait.ge [sflag:s25], $0x4000  }
0xf5: {  	[sflag:s25] =	ssyncset.done $0x0  }
0xf6: {  	s15 =	rddreg [dreg:$0xf];
	[sflag:s25] =	ssyncadd.s32 $0xFFFFC000  }
0xf7: {  	[hbm4b:s15+s4] =	stream.linear.scatter [tilespmem:s14], [sflag:$0xA], $0x4000, $0x38;
	[tilespmem:$0x1DC00] =	vst v63  }
0xf8: {  	_ =	swait.ge [sflag:s18], $0x4000  }
0xf9: {  	[sflag:s18] =	ssyncset.done $0x0  }
0xfa: {  	[sflag:s18] =	ssyncadd.s32 $0xFFFFC000  }
0xfb: {  	_ =	swait.ge [sflag:s0], $0x4000  }
0xfc: {  	[sflag:s0] =	ssyncset.done $0x0  }
0xfd: {  	s16 =	rddreg [dreg:$0x10];
	[sflag:s0] =	ssyncadd.s32 $0xFFFFC000  }
0xfe: {  	[hbm4b:s16+s4] =	stream.linear.scatter [tilespmem:s13], [sflag:$0xB], $0x4000, $0x38;
	[tilespmem:$0x1DC00] =	vst v63  }
0xff: {  	_ =	swait.ge [sflag:s26], $0x4000  }
0x100: {  	[sflag:s26] =	ssyncset.done $0x0  }
0x101: {  	[sflag:s26] =	ssyncadd.s32 $0xFFFFC000  }
0x102: {  	_ =	swait.ge [sflag:s28], $0x4000  }
0x103: {  	[sflag:s28] =	ssyncset.done $0x0  }
0x104: {  	s17 =	rddreg [dreg:$0x19];
	[sflag:s28] =	ssyncadd.s32 $0xFFFFC000  }
0x105: {  	[hbm4b:s17+s4] =	stream.linear.scatter [tilespmem:s9], [sflag:$0xC], $0x4000, $0x38;
	[tilespmem:$0x1DC00] =	vst v63  }
0x106: {  	_ =	swait.ge [sflag:s29], $0x4000  }
0x107: {  	[sflag:s29] =	ssyncset.done $0x0  }
0x108: {  	[sflag:s29] =	ssyncadd.s32 $0xFFFFC000  }
0x109: {  	_ =	swait.ge [sflag:s30], $0x4000  }
0x10a: {  	[sflag:s30] =	ssyncset.done $0x0  }
0x10b: {  	s21 =	rddreg [dreg:$0x1a];
	[sflag:s30] =	ssyncadd.s32 $0xFFFFC000  }
0x10c: {  	[hbm4b:s21+s4] =	stream.linear.scatter [tilespmem:s5], [sflag:$0xD], $0x4000, $0x38;
	[tilespmem:$0x1DC00] =	vst v63  }
0x10d: {  	_ =	swait.ge [sflag:s11], $0x4000  }
0x10e: {  	[sflag:s11] =	ssyncset.done $0x0  }
0x10f: {  	[sflag:s11] =	ssyncadd.s32 $0xFFFFC000  }
0x110: {  	_ =	swait.ge [sflag:s7], $0x4000  }
0x111: {  	[sflag:s7] =	ssyncset.done $0x0  }
0x112: {  	s22 =	rddreg [dreg:$0x1b];
	[sflag:s7] =	ssyncadd.s32 $0xFFFFC000  }
0x113: {  	[hbm4b:s22+s4] =	stream.linear.scatter [tilespmem:s8], [sflag:$0xE], $0x4000, $0x38;
	[tilespmem:$0x1DC00] =	vst v63  }
0x114: {  	_ =	swait.ge [sflag:s19], $0x4000  }
0x115: {  	[sflag:s19] =	ssyncset.done $0x0  }
0x116: {  	[sflag:s19] =	ssyncadd.s32 $0xFFFFC000  }
0x117: {  	_ =	swait.ge [sflag:s6], $0x4000  }
0x118: {  	[sflag:s6] =	ssyncset.done $0x0  }
0x119: {  	s23 =	rddreg [dreg:$0x1c];
	[sflag:s6] =	ssyncadd.s32 $0xFFFFC000  }
0x11a: {  	[hbm4b:s23+s4] =	stream.linear.scatter [tilespmem:s3], [sflag:$0x8], $0x4000, $0x38;
	[tilespmem:$0x1DC00] =	vst v63  }
0x11b: {  	_ =	swait.ge [sflag:s20], $0x4000  }
0x11c: {  	[sflag:s20] =	ssyncset.done $0x0  }
0x11d: {  	[sflag:s20] =	ssyncadd.s32 $0xFFFFC000  }
0x11e: {  	_ =	swait.ge [sflag:s12], $0x4000  }
0x11f: {  	s24 =	rddreg [dreg:$0x1d]  }
0x120: {  	s25 =	rddreg [dreg:$0x11];
	s3 =	sadd.s32 $0x1, s24  }
0x121: {  	p0 =	sne.s32 s3, s25  }
.Ltmp1:
0x122: {  	_ = 	snop;
	(pc) =	sbr.rel @p0 .LBB2_1-.Ltmp1, $3  }
0x123: {  	_ =	sdelay $0x1  }
0x124: {  	[sflag:s12] =	ssyncset.done $0x0  }
0x125: {  	s9 =	smov.u32 s10;
	[sflag:s12] =	ssyncadd.s32 $0xFFFFC000  }
0x126: {  	_ =	sfence.sel $0x180000  }
0x127: {  	[bflag:$0x0] =	sbarrier.arrive $0xFFFF  }
0x128: {  	_ =	strace $0x90000047  }
0x129: {  	s0 =	stileid.u32;
	[bflag:$0x2] =	sbarrier.arrive $0xFFFF  }
0x12a: {  	p0 =	sne.s32 s0, $0x0;
	s0 =	rddreg [dreg:$0x3]  }
0x12b: {  	s0 =	sadd.s32 @!p0 $0x100000, s0  }
0x12c: {  	[sflag:s0] =	ssyncadd.tile.s32 @!p0 $0x1;
	_ =	shalt  }
.Lfunc_end2:
_tile_overlayer_lowered:
.L_overlay_start_2:
0x12d: {  	(tag) =	ssettag $0x2  }
0x12e: {  	s0 =	rddreg [dreg:$0x0];
	s2 =	stileid.u32  }
0x12f: {  	s1 =	rddreg [dreg:$0x1];
	p0 =	sne.s32 s2, $0x0  }
0x130: {  	s3 =	rddreg [dreg:$0x2];
	[bflag:$0x3] =	sbarrier.arrive $0xFFFF;
	s2 =	simm.s32 @!p0 $0x1C0F  }
0x131: {  	[timem:s3], [sflag:s2] =	dma.local @!p0 [hbm:s0], s1  }
0x132: {  	s0 =	simm.s32 @!p0 $0xF  }
0x133: {  	_ =	swait.ge @!p0 [sflag:s0], s1  }
0x134: {  	s1 =	ssub.s32 @!p0 $0x0, s1;
	[sflag:s0] =	ssyncset.done @!p0 $0x0  }
0x135: {  	[sflag:s0] =	ssyncadd.s32 @!p0 s1  }
0x136: {  	[bflag:$0x3] =	sbarrier.arrive $0xFFFF  }
0x137: {  	_ =	shalt  }

</sc_bundles>
